<compile_context>
chip_gen: v7x
topology: tpu7x:2x2x1
jax: 0.10.2.dev20260603
libtpu: 0.0.44.dev20260713+nightly
codegen_flags: <defaults>
</compile_context>

<pallas_src>
import functools

import jax
import jax.numpy as jnp
from jax import lax
from jax.experimental import pallas as pl
from jax.experimental.pallas import tpu as pltpu
from jax.experimental.pallas import tpu_sc as plsc

_EPS = 1e-6
_TAU = 2.5e-3
_GCAP = 96
_TBLK = 32
_NCANON = _GCAP // _TBLK


def _rot_scalars(pq, s):
    n = jnp.sqrt(jnp.sum(pq * pq, axis=1, keepdims=True))
    u = pq / jnp.maximum(n, _EPS)
    uu = jnp.sum(u * u, axis=1, keepdims=True)
    dot = jnp.sum(u, axis=1, keepdims=True) * s
    return u, uu, dot, 1.0 + dot + _EPS


def _rowdots(u, x, s):
    vx = jnp.sum(x, axis=1, keepdims=True) * s
    ux = jnp.sum(u * x, axis=1, keepdims=True)
    return vx, ux


def _gate_body(x_ref, pq_ref, ct_ref, idx_s, sl_s, gx_s, gpq_s):
    B, D = x_ref.shape
    K = ct_ref.shape[1]
    s = 1.0 / jnp.sqrt(jnp.float32(D))

    x = x_ref[...]
    pq = pq_ref[...]
    ct = ct_ref[...]

    u, uu, dot, denom = _rot_scalars(pq, s)
    vx, ux = _rowdots(u, x, s)
    xc = (x
          + u * (-vx + (dot * vx - ux) / denom)
          + s * (ux - (uu * vx - dot * ux) / denom))

    cn = jnp.sum(ct * ct, axis=0, keepdims=True)
    scores = jnp.dot(xc, ct, preferred_element_type=jnp.float32,
                     precision=lax.Precision.HIGHEST)
    d2 = cn - 2.0 * scores
    m1 = jnp.min(d2, axis=1, keepdims=True)
    kio = lax.broadcasted_iota(jnp.int32, d2.shape, 1)
    idx = jnp.min(jnp.where(d2 == m1, kio, K), axis=1, keepdims=True)
    idx_s[...] = idx

    m2 = jnp.min(jnp.where(kio == idx, jnp.float32(1e30), d2),
                 axis=1, keepdims=True)
    xn = jnp.sum(xc * xc, axis=1, keepdims=True)
    gap = (jnp.sqrt(jnp.maximum(m2 + xn, 0.0))
           - jnp.sqrt(jnp.maximum(m1 + xn, 0.0)))
    flag = gap < _TAU

    ii = lax.broadcasted_iota(jnp.int32, (B, B), 0)
    jj = lax.broadcasted_iota(jnp.int32, (B, B), 1)
    lower = (jj <= ii).astype(jnp.float32)
    fcol = flag.astype(jnp.float32)
    csum = jnp.dot(lower, fcol, preferred_element_type=jnp.float32)
    sl = jnp.where(flag, csum.astype(jnp.int32) - 1, -1)
    sl_s[...] = sl

    slr = sl.reshape(1, B)
    sio = lax.broadcasted_iota(jnp.int32, (_GCAP, B), 0)
    pt = (sio == slr).astype(jnp.float32)
    gx_s[...] = jnp.dot(pt, x, preferred_element_type=jnp.float32,
                        precision=lax.Precision.HIGHEST)
    gpq_s[...] = jnp.dot(pt, pq, preferred_element_type=jnp.float32,
                         precision=lax.Precision.HIGHEST)


def _canon_body(base, gx_s, gpq_s, gxc_s):
    T = _TBLK
    D = gx_s.shape[1]
    s = 1.0 / jnp.sqrt(jnp.float32(D))

    x = gx_s[pl.ds(base, T), :]
    pq = gpq_s[pl.ds(base, T), :]
    n = jnp.sqrt(jnp.sum(pq * pq, axis=1, keepdims=True))
    u = pq / jnp.maximum(n, _EPS)
    p = u * s
    pT = p.T
    dots = jnp.sum(p, axis=1, keepdims=True)

    ii = lax.broadcasted_iota(jnp.int32, (D, D), 0)
    jj = lax.broadcasted_iota(jnp.int32, (D, D), 1)
    eye = (ii == jj).astype(jnp.float32)

    rows = []
    for t in range(T):
        A = pT[:, t:t + 1] - p[t:t + 1, :]
        A2 = jnp.dot(A, A, preferred_element_type=jnp.float32)
        R = eye + A + A2 / (1.0 + dots[t, 0] + _EPS)
        rows.append(jnp.dot(x[t:t + 1, :], R,
                            preferred_element_type=jnp.float32))
    gxc_s[pl.ds(base, T), :] = jnp.concatenate(rows, axis=0)





def _idx_kernel(x_ref, pq_ref, ct_ref, idxo_ref, idx_s, sl_s, gx_s, gpq_s,
                gxc_s):
    pid = pl.program_id(0)

    @pl.when(pid == 0)
    def _():
        _gate_body(x_ref, pq_ref, ct_ref, idx_s, sl_s, gx_s, gpq_s)

    @pl.when((pid >= 1) & (pid <= _NCANON))
    def _():
        _canon_body((pid - 1) * _TBLK, gx_s, gpq_s, gxc_s)

    @pl.when(pid == _NCANON + 1)
    def _():
        B = x_ref.shape[0]
        K = ct_ref.shape[1]
        ct = ct_ref[...]
        sl = sl_s[...]
        gxc = gxc_s[...]
        cn = jnp.sum(ct * ct, axis=0, keepdims=True)
        gsc = jnp.dot(gxc, ct, preferred_element_type=jnp.float32,
                      precision=lax.Precision.HIGHEST)
        gd2 = cn - 2.0 * gsc
        gm = jnp.min(gd2, axis=1, keepdims=True)
        gkio = lax.broadcasted_iota(jnp.int32, gd2.shape, 1)
        gidx = jnp.min(jnp.where(gd2 == gm, gkio, K), axis=1, keepdims=True)
        sio = lax.broadcasted_iota(jnp.int32, (B, _GCAP), 1)
        g = (sio == sl).astype(jnp.float32)
        rep = jnp.dot(g, gidx.astype(jnp.float32),
                      preferred_element_type=jnp.float32,
                      precision=lax.Precision.HIGHEST)
        idxo_ref[...] = jnp.where((sl >= 0) & (sl < _GCAP),
                                  rep.astype(jnp.int32), idx_s[...])


def _rot_kernel(x_ref, pq_ref, qc_ref, q_ref, loss_ref):
    B, D = x_ref.shape
    s = 1.0 / jnp.sqrt(jnp.float32(D))
    x = x_ref[...]
    pq = pq_ref[...]
    qc = qc_ref[...]
    u, uu, dot, denom = _rot_scalars(pq, s)
    vq, uq = _rowdots(u, qc, s)
    quant = (qc
             + u * (vq + (dot * vq - uq) / denom)
             + s * (-uq - (uu * vq - dot * uq) / denom))
    q_ref[...] = quant
    diff = x - quant
    lc = jnp.sum(diff * diff) / jnp.float32(B)
    loss_ref[...] = jnp.reshape(lc + 0.25 * lc, (1, 1))


def _make_sc_gather(K, D, B):
    info = plsc.get_sparse_core_info()
    nw = info.num_cores * info.num_subcores
    b_per_w = B // nw
    mesh = plsc.VectorSubcoreMesh(core_axis_name="c", subcore_axis_name="s")

    @functools.partial(
        pl.kernel, mesh=mesh,
        out_type=jax.ShapeDtypeStruct((B, D), jnp.float32),
        scratch_types=[
            pltpu.VMEM((b_per_w,), jnp.int32),
            pltpu.VMEM((b_per_w, D), jnp.float32),
            pltpu.SemaphoreType.DMA,
        ],
    )
    def sc_gather(table_hbm, idx_hbm, out_hbm, idx_v, rows_v, sem):
        wid = lax.axis_index("s") * info.num_cores + lax.axis_index("c")
        base = wid * b_per_w
        pltpu.sync_copy(idx_hbm.at[pl.ds(base, b_per_w)], idx_v)
        pltpu.async_copy(table_hbm.at[idx_v], rows_v, sem).wait()
        pltpu.sync_copy(rows_v, out_hbm.at[pl.ds(base, b_per_w)])

    return sc_gather


def kernel(x, prev_q, codes):
    B, D = x.shape
    K = codes.shape[1]
    c2d = codes.reshape(K, D)
    ct = c2d.T

    full = lambda shape: pl.BlockSpec(shape, lambda i: tuple(0 for _ in shape))
    idx = pl.pallas_call(
        _idx_kernel,
        grid=(_NCANON + 2,),
        in_specs=[full((B, D)), full((B, D)), full((D, K))],
        out_specs=full((B, 1)),
        out_shape=jax.ShapeDtypeStruct((B, 1), jnp.int32),
        scratch_shapes=[
            pltpu.VMEM((B, 1), jnp.int32),
            pltpu.VMEM((B, 1), jnp.int32),
            pltpu.VMEM((_GCAP, D), jnp.float32),
            pltpu.VMEM((_GCAP, D), jnp.float32),
            pltpu.VMEM((_GCAP, D), jnp.float32),
        ],
    )(x, prev_q, ct)

    qc = _make_sc_gather(K, D, B)(c2d, idx.reshape(B))

    q, loss = pl.pallas_call(
        _rot_kernel,
        out_shape=(
            jax.ShapeDtypeStruct((B, D), jnp.float32),
            jax.ShapeDtypeStruct((1, 1), jnp.float32),
        ),
    )(x, prev_q, qc)
    return q, idx.reshape(B), loss.reshape(())

# --- scband reference (transcript-rebuilt; emitter-appended) ---
"""Pipeline reference for scband-rotational-quantizer-33036888441546 (READ-ONLY COPY).

The authoritative reference and input builder live on the scoring server;
editing this copy changes nothing except your own understanding.
"""

import jax, jax.numpy as jnp
import numpy as np


def _get_rotation_matrix(u, v, eps=1e-6):
    B, D = u.shape
    v_b = jnp.broadcast_to(v[None, :], (B, D))
    uvT = u[:, :, None] * v_b[:, None, :]
    vuT = v_b[:, :, None] * u[:, None, :]
    A = uvT - vuT
    A2 = jnp.einsum('bij,bjk->bik', A, A)
    dot = jnp.sum(u * v_b, axis=-1)[:, None, None]
    I = jnp.eye(D, dtype=u.dtype)[None, :, :]
    return I + A + A2 / (1.0 + dot + eps)


def setup_inputs(seed: int = 0):
    key = jax.random.key(seed)
    k1, k2, k3 = jax.random.split(key, 3)
    B, D, K = 512, 256, 1024
    x = jax.random.normal(k1, (B, D), dtype=jnp.float32)
    prev_q = jax.random.normal(k2, (B, D), dtype=jnp.float32)
    # learned codebook parameter (torch init is zeros + kmeans; use randn for a meaningful reference)
    codes = jax.random.normal(k3, (1, K, D), dtype=jnp.float32) * 0.1
    return {"x": x, "prev_q": prev_q, "codes": codes}


def reference(x, prev_q, codes):
    D = x.shape[1]
    alpha = 0.1
    beta = 0.25
    v = jnp.ones((D,), dtype=jnp.float32) / jnp.sqrt(jnp.float32(D))
    # F.normalize(prev_q, dim=-1, eps=1e-6)
    n = jnp.linalg.norm(prev_q, axis=-1, keepdims=True)
    u = prev_q / jnp.maximum(n, 1e-6)
    R = _get_rotation_matrix(u, v)
    R_inv = jnp.swapaxes(R, 1, 2)
    # x_canonical = bmm(R_inv, x.unsqueeze(2)).squeeze(2)
    x_canonical = jnp.einsum('bij,bj->bi', R_inv, x)
    # distances over the codebook (eval path: argmin, no gumbel)
    distances = jnp.linalg.norm(x_canonical[:, None, :] - codes[0][None, :, :], axis=-1) / jnp.sqrt(jnp.float32(D)) / alpha
    indices = jnp.argmin(distances, axis=-1)
    quantized_canonical = jnp.take(codes[0], indices, axis=0)
    quantized = jnp.einsum('bij,bj->bi', R, quantized_canonical)
    loss_commit = jnp.mean(jnp.sum((x - jax.lax.stop_gradient(quantized)) ** 2, axis=-1))
    loss_codebook = jnp.mean(jnp.sum((quantized - jax.lax.stop_gradient(x)) ** 2, axis=-1))
    loss = loss_commit + beta * loss_codebook
    return (quantized, indices, loss)

if __name__ == "__main__":
    import jax
    _d = setup_inputs()
    print(jax.jit(kernel)(*tuple(_d.values())))

</pallas_src>

<mosaic_0001>
#map = affine_map<(d0, d1) -> (0, 0)>
#map1 = affine_map<(d0, d1) -> (0)>
module attributes {stable_mosaic.version = 14 : i64} {
  func.func @sc_gather(%arg0: i32, %arg1: i32, %arg2: memref<1024x256xf32, #tpu.memory_space<hbm>>, %arg3: memref<512xi32, #tpu.memory_space<hbm>>, %arg4: memref<512x256xf32, #tpu.memory_space<hbm>>, %arg5: memref<16xi32, #tpu.memory_space<vmem>>, %arg6: memref<16x256xf32, #tpu.memory_space<vmem>>, %arg7: memref<!tpu.dma_semaphore, #tpu.memory_space<semaphore_mem>>) attributes {dimension_semantics = [#tpu.dimension_semantics<core_parallel>, #tpu.dimension_semantics<subcore_parallel>], iteration_bounds = array<i64: 2, 16>, scalar_prefetch = 0 : i64, scratch_operands = 3 : i64, tpu.core_type = #tpu.core_type<sc_vector_subcore>, window_params = [{transform_indices = #map}, {transform_indices = #map1}, {transform_indices = #map}]} {
    %mul3A = arith.constant 2 : i32
    %mul3A_0 = arith.muli %arg1, %mul3A : i32
    %add3A = arith.addi %mul3A_0, %arg0 : i32
    %mul3A_1 = arith.constant 16 : i32
    %mul3A_2 = arith.muli %add3A, %mul3A_1 : i32
    "tpu.region"() ({
      %run_scoped3A = tpu.sem_alloc : memref<!tpu.dma_semaphore, #tpu.memory_space<semaphore_mem>>
      %dma_start3A_7 = tpu.memref_slice %arg3[%mul3A_2] : memref<512xi32, #tpu.memory_space<hbm>> -> memref<16xi32, #tpu.memory_space<hbm>>
      %dma_start3A_8 = tpu.memref_slice %arg3[%mul3A_2] : memref<512xi32, #tpu.memory_space<hbm>> -> memref<16xi32, #tpu.memory_space<hbm>>
      tpu.enqueue_dma source(%dma_start3A_8 : memref<16xi32, #tpu.memory_space<hbm>>) target(%arg5 : memref<16xi32, #tpu.memory_space<vmem>>) target_semaphore(%run_scoped3A : memref<!tpu.dma_semaphore, #tpu.memory_space<semaphore_mem>>)
      %dma_wait3A_9 = tpu.memref_slice %arg3[%mul3A_2] : memref<512xi32, #tpu.memory_space<hbm>> -> memref<16xi32, #tpu.memory_space<hbm>>
      %dma_wait3A_10 = tpu.memref_slice %arg3[%mul3A_2] : memref<512xi32, #tpu.memory_space<hbm>> -> memref<16xi32, #tpu.memory_space<hbm>>
      tpu.wait_dma2 semaphore(%run_scoped3A : memref<!tpu.dma_semaphore, #tpu.memory_space<semaphore_mem>>) src(%dma_wait3A_10 : memref<16xi32, #tpu.memory_space<hbm>>) dst(%arg5 : memref<16xi32, #tpu.memory_space<vmem>>)
      tpu.yield
    }) : () -> ()
    %dma_start3A = arith.constant 0 : i32
    %dma_start3A_3 = arith.constant 0 : i32
    %dma_start3A_4 = tpu.memref_slice %arg2[%dma_start3A, %dma_start3A_3] : memref<1024x256xf32, #tpu.memory_space<hbm>> -> memref<1024x256xf32, #tpu.memory_space<hbm>>
    tpu.enqueue_indirect_dma source(%dma_start3A_4 : memref<1024x256xf32, #tpu.memory_space<hbm>>) target(%arg6 : memref<16x256xf32, #tpu.memory_space<vmem>>) offsets(%arg5 : memref<16xi32, #tpu.memory_space<vmem>>) semaphore(%arg7 : memref<!tpu.dma_semaphore, #tpu.memory_space<semaphore_mem>>)
    %dma_wait3A = arith.constant 0 : i32
    %dma_wait3A_5 = arith.constant 0 : i32
    %dma_wait3A_6 = tpu.memref_slice %arg2[%dma_wait3A, %dma_wait3A_5] : memref<1024x256xf32, #tpu.memory_space<hbm>> -> memref<1024x256xf32, #tpu.memory_space<hbm>>
    tpu.wait_indirect_dma semaphore(%arg7 : memref<!tpu.dma_semaphore, #tpu.memory_space<semaphore_mem>>) src(%dma_wait3A_6 : memref<1024x256xf32, #tpu.memory_space<hbm>>) dst(%arg6 : memref<16x256xf32, #tpu.memory_space<vmem>>)
    "tpu.region"() ({
      %run_scoped3A = tpu.sem_alloc : memref<!tpu.dma_semaphore, #tpu.memory_space<semaphore_mem>>
      %dma_start3A_7 = arith.constant 0 : i32
      %dma_start3A_8 = tpu.memref_slice %arg4[%mul3A_2, %dma_start3A_7] : memref<512x256xf32, #tpu.memory_space<hbm>> -> memref<16x256xf32, #tpu.memory_space<hbm>>
      %dma_start3A_9 = arith.constant 0 : i32
      %dma_start3A_10 = tpu.memref_slice %arg4[%mul3A_2, %dma_start3A_9] : memref<512x256xf32, #tpu.memory_space<hbm>> -> memref<16x256xf32, #tpu.memory_space<hbm>>
      tpu.enqueue_dma source(%arg6 : memref<16x256xf32, #tpu.memory_space<vmem>>) target(%dma_start3A_10 : memref<16x256xf32, #tpu.memory_space<hbm>>) target_semaphore(%run_scoped3A : memref<!tpu.dma_semaphore, #tpu.memory_space<semaphore_mem>>)
      %dma_wait3A_11 = arith.constant 0 : i32
      %dma_wait3A_12 = tpu.memref_slice %arg4[%mul3A_2, %dma_wait3A_11] : memref<512x256xf32, #tpu.memory_space<hbm>> -> memref<16x256xf32, #tpu.memory_space<hbm>>
      %dma_wait3A_13 = arith.constant 0 : i32
      %dma_wait3A_14 = tpu.memref_slice %arg4[%mul3A_2, %dma_wait3A_13] : memref<512x256xf32, #tpu.memory_space<hbm>> -> memref<16x256xf32, #tpu.memory_space<hbm>>
      tpu.wait_dma2 semaphore(%run_scoped3A : memref<!tpu.dma_semaphore, #tpu.memory_space<semaphore_mem>>) src(%arg6 : memref<16x256xf32, #tpu.memory_space<vmem>>) dst(%dma_wait3A_14 : memref<16x256xf32, #tpu.memory_space<hbm>>)
      tpu.yield
    }) : () -> ()
    return
  }
}

module attributes {stable_mosaic.version = 14 : i64} {
  func.func @_idx_kernel(%arg0: i32, %arg1: memref<512x256xf32, #tpu.memory_space<vmem>>, %arg2: memref<512x256xf32, #tpu.memory_space<vmem>>, %arg3: memref<256x1024xf32, #tpu.memory_space<vmem>>, %arg4: memref<512x1xi32, #tpu.memory_space<vmem>>, %arg5: memref<512x1xi32, #tpu.memory_space<vmem>>, %arg6: memref<512x1xi32, #tpu.memory_space<vmem>>, %arg7: memref<96x256xf32, #tpu.memory_space<vmem>>, %arg8: memref<96x256xf32, #tpu.memory_space<vmem>>, %arg9: memref<96x256xf32, #tpu.memory_space<vmem>>) attributes {dimension_semantics = [#tpu.dimension_semantics<arbitrary>], iteration_bounds = array<i64: 5>, scalar_prefetch = 0 : i64, scratch_operands = 5 : i64, tpu.core_type = #tpu.core_type<tc>, window_params = [{pipeline_mode = #tpu.pipeline_mode<synchronous>, transform_indices = @transform_0, window_bounds = array<i64: 512, 256>}, {pipeline_mode = #tpu.pipeline_mode<synchronous>, transform_indices = @transform_1, window_bounds = array<i64: 512, 256>}, {pipeline_mode = #tpu.pipeline_mode<synchronous>, transform_indices = @transform_2, window_bounds = array<i64: 256, 1024>}, {pipeline_mode = #tpu.pipeline_mode<synchronous>, transform_indices = @transform_3, window_bounds = array<i64: 512, 1>}]} {
    %eq3A = arith.constant 0 : i32
    %eq3A_0 = arith.cmpi eq, %arg0, %eq3A : i32
    %convert_element_type3A = arith.extui %eq3A_0 : i1 to i32
    %cond3A = arith.constant 0 : i32
    %cond3A_1 = arith.cmpi ne, %convert_element_type3A, %cond3A : i32
    scf.if %cond3A_1 {
      %sqrt3A = arith.constant 2.560000e+02 : f32
      %sqrt3A_12 = math.sqrt %sqrt3A : f32
      %div3A = arith.constant 1.000000e+00 : f32
      %div3A_13 = arith.divf %div3A, %sqrt3A_12 : f32
      %get3A = arith.constant 0 : index
      %get3A_14 = arith.constant 0 : index
      %get3A_15 = vector.load %arg1[%get3A, %get3A_14] : memref<512x256xf32, #tpu.memory_space<vmem>>, vector<512x256xf32>
      %get3A_16 = arith.constant 0 : index
      %get3A_17 = arith.constant 0 : index
      %get3A_18 = vector.load %arg2[%get3A_16, %get3A_17] : memref<512x256xf32, #tpu.memory_space<vmem>>, vector<512x256xf32>
      %get3A_19 = arith.constant 0 : index
      %get3A_20 = arith.constant 0 : index
      %get3A_21 = vector.load %arg3[%get3A_19, %get3A_20] : memref<256x1024xf32, #tpu.memory_space<vmem>>, vector<256x1024xf32>
      %mul3A = arith.mulf %get3A_18, %get3A_18 : vector<512x256xf32>
      %reduce_sum3A = arith.constant dense<0.000000e+00> : vector<512xf32>
      %reduce_sum3A_22 = vector.multi_reduction <add>, %mul3A, %reduce_sum3A [1] : vector<512x256xf32> to vector<512xf32>
      %broadcast_in_dim3A = vector.shape_cast %reduce_sum3A_22 : vector<512xf32> to vector<512x1xf32>
      %sqrt3A_23 = math.sqrt %broadcast_in_dim3A : vector<512x1xf32>
      %max3A = arith.constant 9.99999997E-7 : f32
      %max3A_24 = vector.broadcast %max3A : f32 to vector<512x1xf32>
      %max3A_25 = arith.maximumf %sqrt3A_23, %max3A_24 : vector<512x1xf32>
      %div3A_26 = vector.broadcast %max3A_25 : vector<512x1xf32> to vector<512x256xf32>
      %div3A_27 = arith.divf %get3A_18, %div3A_26 : vector<512x256xf32>
      %mul3A_28 = arith.mulf %div3A_27, %div3A_27 : vector<512x256xf32>
      %reduce_sum3A_29 = arith.constant dense<0.000000e+00> : vector<512xf32>
      %reduce_sum3A_30 = vector.multi_reduction <add>, %mul3A_28, %reduce_sum3A_29 [1] : vector<512x256xf32> to vector<512xf32>
      %broadcast_in_dim3A_31 = vector.shape_cast %reduce_sum3A_30 : vector<512xf32> to vector<512x1xf32>
      %reduce_sum3A_32 = arith.constant dense<0.000000e+00> : vector<512xf32>
      %reduce_sum3A_33 = vector.multi_reduction <add>, %div3A_27, %reduce_sum3A_32 [1] : vector<512x256xf32> to vector<512xf32>
      %broadcast_in_dim3A_34 = vector.shape_cast %reduce_sum3A_33 : vector<512xf32> to vector<512x1xf32>
      %mul3A_35 = vector.broadcast %div3A_13 : f32 to vector<512x1xf32>
      %mul3A_36 = arith.mulf %broadcast_in_dim3A_34, %mul3A_35 : vector<512x1xf32>
      %add3A = arith.constant 1.000000e+00 : f32
      %add3A_37 = vector.broadcast %add3A : f32 to vector<512x1xf32>
      %add3A_38 = arith.addf %add3A_37, %mul3A_36 : vector<512x1xf32>
      %add3A_39 = arith.constant 9.99999997E-7 : f32
      %add3A_40 = vector.broadcast %add3A_39 : f32 to vector<512x1xf32>
      %add3A_41 = arith.addf %add3A_38, %add3A_40 : vector<512x1xf32>
      %reduce_sum3A_42 = arith.constant dense<0.000000e+00> : vector<512xf32>
      %reduce_sum3A_43 = vector.multi_reduction <add>, %get3A_15, %reduce_sum3A_42 [1] : vector<512x256xf32> to vector<512xf32>
      %broadcast_in_dim3A_44 = vector.shape_cast %reduce_sum3A_43 : vector<512xf32> to vector<512x1xf32>
      %mul3A_45 = vector.broadcast %div3A_13 : f32 to vector<512x1xf32>
      %mul3A_46 = arith.mulf %broadcast_in_dim3A_44, %mul3A_45 : vector<512x1xf32>
      %mul3A_47 = arith.mulf %div3A_27, %get3A_15 : vector<512x256xf32>
      %reduce_sum3A_48 = arith.constant dense<0.000000e+00> : vector<512xf32>
      %reduce_sum3A_49 = vector.multi_reduction <add>, %mul3A_47, %reduce_sum3A_48 [1] : vector<512x256xf32> to vector<512xf32>
      %broadcast_in_dim3A_50 = vector.shape_cast %reduce_sum3A_49 : vector<512xf32> to vector<512x1xf32>
      %neg3A = arith.constant 0.000000e+00 : f32
      %neg3A_51 = vector.broadcast %neg3A : f32 to vector<512x1xf32>
      %neg3A_52 = arith.subf %neg3A_51, %mul3A_46 : vector<512x1xf32>
      %mul3A_53 = arith.mulf %mul3A_36, %mul3A_46 : vector<512x1xf32>
      %sub3A = arith.subf %mul3A_53, %broadcast_in_dim3A_50 : vector<512x1xf32>
      %div3A_54 = arith.divf %sub3A, %add3A_41 : vector<512x1xf32>
      %add3A_55 = arith.addf %neg3A_52, %div3A_54 : vector<512x1xf32>
      %mul3A_56 = vector.broadcast %add3A_55 : vector<512x1xf32> to vector<512x256xf32>
      %mul3A_57 = arith.mulf %div3A_27, %mul3A_56 : vector<512x256xf32>
      %add3A_58 = arith.addf %get3A_15, %mul3A_57 : vector<512x256xf32>
      %mul3A_59 = arith.mulf %broadcast_in_dim3A_31, %mul3A_46 : vector<512x1xf32>
      %mul3A_60 = arith.mulf %mul3A_36, %broadcast_in_dim3A_50 : vector<512x1xf32>
      %sub3A_61 = arith.subf %mul3A_59, %mul3A_60 : vector<512x1xf32>
      %div3A_62 = arith.divf %sub3A_61, %add3A_41 : vector<512x1xf32>
      %sub3A_63 = arith.subf %broadcast_in_dim3A_50, %div3A_62 : vector<512x1xf32>
      %mul3A_64 = vector.broadcast %div3A_13 : f32 to vector<512x1xf32>
      %mul3A_65 = arith.mulf %mul3A_64, %sub3A_63 : vector<512x1xf32>
      %add3A_66 = vector.broadcast %mul3A_65 : vector<512x1xf32> to vector<512x256xf32>
      %add3A_67 = arith.addf %add3A_58, %add3A_66 : vector<512x256xf32>
      %mul3A_68 = arith.mulf %get3A_21, %get3A_21 : vector<256x1024xf32>
      %reduce_sum3A_69 = arith.constant dense<0.000000e+00> : vector<1024xf32>
      %reduce_sum3A_70 = vector.multi_reduction <add>, %mul3A_68, %reduce_sum3A_69 [0] : vector<256x1024xf32> to vector<1024xf32>
      %broadcast_in_dim3A_71 = vector.shape_cast %reduce_sum3A_70 : vector<1024xf32> to vector<1x1024xf32>
      %dot_general3A = arith.constant dense<0.000000e+00> : vector<512x1024xf32>
      %dot_general3A_72 = tpu.matmul %add3A_67, %get3A_21, %dot_general3A {dimension_numbers = #tpu.dot_dimension_numbers<[1], [0], [0], [1], [0, 0, 1, 1], [], []>, precision = #tpu.contract_precision<fp32>, transpose_lhs_hint = false} : vector<512x256xf32>, vector<256x1024xf32>, vector<512x1024xf32> -> vector<512x1024xf32>
      %mul3A_73 = arith.constant 2.000000e+00 : f32
      %mul3A_74 = vector.broadcast %mul3A_73 : f32 to vector<512x1024xf32>
      %mul3A_75 = arith.mulf %mul3A_74, %dot_general3A_72 : vector<512x1024xf32>
      %sub3A_76 = vector.broadcast %broadcast_in_dim3A_71 : vector<1x1024xf32> to vector<512x1024xf32>
      %sub3A_77 = arith.subf %sub3A_76, %mul3A_75 : vector<512x1024xf32>
      %reduce_min3A = arith.constant dense<0x7F800000> : vector<512xf32>
      %reduce_min3A_78 = vector.multi_reduction <minimumf>, %sub3A_77, %reduce_min3A [1] : vector<512x1024xf32> to vector<512xf32>
      %broadcast_in_dim3A_79 = vector.shape_cast %reduce_min3A_78 : vector<512xf32> to vector<512x1xf32>
      %iota3A = tpu.iota {dimensions = array<i32: 1>} : vector<512x1024xi32>
      %eq3A_80 = vector.broadcast %broadcast_in_dim3A_79 : vector<512x1xf32> to vector<512x1024xf32>
      %eq3A_81 = arith.cmpf oeq, %sub3A_77, %eq3A_80 : vector<512x1024xf32>
      %jit3A = arith.constant 1024 : i32
      %broadcast_in_dim3A_82 = vector.broadcast %jit3A : i32 to vector<512x1024xi32>
      %select_n3A = arith.select %eq3A_81, %iota3A, %broadcast_in_dim3A_82 : vector<512x1024xi1>, vector<512x1024xi32>
      %reduce_min3A_83 = arith.constant dense<2147483647> : vector<512xi32>
      %reduce_min3A_84 = vector.multi_reduction <minsi>, %select_n3A, %reduce_min3A_83 [1] : vector<512x1024xi32> to vector<512xi32>
      %broadcast_in_dim3A_85 = vector.shape_cast %reduce_min3A_84 : vector<512xi32> to vector<512x1xi32>
      %swap3A = arith.constant 0 : index
      %swap3A_86 = arith.constant 0 : index
      %swap3A_87 = vector.load %arg5[%swap3A, %swap3A_86] : memref<512x1xi32, #tpu.memory_space<vmem>>, vector<512x1xi32>
      tpu.vector_store %arg5[%swap3A, %swap3A_86], %broadcast_in_dim3A_85 {strides = array<i32>} : memref<512x1xi32, #tpu.memory_space<vmem>>, vector<512x1xi32>,
      %eq3A_88 = vector.broadcast %broadcast_in_dim3A_85 : vector<512x1xi32> to vector<512x1024xi32>
      %eq3A_89 = arith.cmpi eq, %iota3A, %eq3A_88 : vector<512x1024xi32>
      %jit3A_90 = arith.constant 1.000000e+30 : f32
      %broadcast_in_dim3A_91 = vector.broadcast %jit3A_90 : f32 to vector<512x1024xf32>
      %select_n3A_92 = arith.select %eq3A_89, %broadcast_in_dim3A_91, %sub3A_77 : vector<512x1024xi1>, vector<512x1024xf32>
      %reduce_min3A_93 = arith.constant dense<0x7F800000> : vector<512xf32>
      %reduce_min3A_94 = vector.multi_reduction <minimumf>, %select_n3A_92, %reduce_min3A_93 [1] : vector<512x1024xf32> to vector<512xf32>
      %broadcast_in_dim3A_95 = vector.shape_cast %reduce_min3A_94 : vector<512xf32> to vector<512x1xf32>
      %mul3A_96 = arith.mulf %add3A_67, %add3A_67 : vector<512x256xf32>
      %reduce_sum3A_97 = arith.constant dense<0.000000e+00> : vector<512xf32>
      %reduce_sum3A_98 = vector.multi_reduction <add>, %mul3A_96, %reduce_sum3A_97 [1] : vector<512x256xf32> to vector<512xf32>
      %broadcast_in_dim3A_99 = vector.shape_cast %reduce_sum3A_98 : vector<512xf32> to vector<512x1xf32>
      %add3A_100 = arith.addf %broadcast_in_dim3A_95, %broadcast_in_dim3A_99 : vector<512x1xf32>
      %max3A_101 = arith.constant 0.000000e+00 : f32
      %max3A_102 = vector.broadcast %max3A_101 : f32 to vector<512x1xf32>
      %max3A_103 = arith.maximumf %add3A_100, %max3A_102 : vector<512x1xf32>
      %sqrt3A_104 = math.sqrt %max3A_103 : vector<512x1xf32>
      %add3A_105 = arith.addf %broadcast_in_dim3A_79, %broadcast_in_dim3A_99 : vector<512x1xf32>
      %max3A_106 = arith.constant 0.000000e+00 : f32
      %max3A_107 = vector.broadcast %max3A_106 : f32 to vector<512x1xf32>
      %max3A_108 = arith.maximumf %add3A_105, %max3A_107 : vector<512x1xf32>
      %sqrt3A_109 = math.sqrt %max3A_108 : vector<512x1xf32>
      %sub3A_110 = arith.subf %sqrt3A_104, %sqrt3A_109 : vector<512x1xf32>
      %lt3A = arith.constant 2.500000e-03 : f32
      %lt3A_111 = vector.broadcast %lt3A : f32 to vector<512x1xf32>
      %lt3A_112 = arith.cmpf olt, %sub3A_110, %lt3A_111 : vector<512x1xf32>
      %iota3A_113 = tpu.iota {dimensions = array<i32: 0>} : vector<512x512xi32>
      %iota3A_114 = tpu.iota {dimensions = array<i32: 1>} : vector<512x512xi32>
      %le3A_115 = arith.cmpi sle, %iota3A_114, %iota3A_113 : vector<512x512xi32>
      %convert_element_type3A_116 = arith.extui %le3A_115 : vector<512x512xi1> to vector<512x512xi32>
      %convert_element_type3A_117 = arith.sitofp %convert_element_type3A_116 : vector<512x512xi32> to vector<512x512xf32>
      %convert_element_type3A_118 = arith.extui %lt3A_112 : vector<512x1xi1> to vector<512x1xi32>
      %convert_element_type3A_119 = arith.sitofp %convert_element_type3A_118 : vector<512x1xi32> to vector<512x1xf32>
      %dot_general3A_120 = arith.constant dense<0.000000e+00> : vector<512x1xf32>
      %dot_general3A_121 = tpu.matmul %convert_element_type3A_117, %convert_element_type3A_119, %dot_general3A_120 {dimension_numbers = #tpu.dot_dimension_numbers<[1], [0], [0], [1], [0, 0, 1, 1], [], []>, transpose_lhs_hint = false} : vector<512x512xf32>, vector<512x1xf32>, vector<512x1xf32> -> vector<512x1xf32>
      %convert_element_type3A_122 = arith.fptosi %dot_general3A_121 : vector<512x1xf32> to vector<512x1xi32>
      %sub3A_123 = arith.constant 1 : i32
      %sub3A_124 = vector.broadcast %sub3A_123 : i32 to vector<512x1xi32>
      %sub3A_125 = arith.subi %convert_element_type3A_122, %sub3A_124 : vector<512x1xi32>
      %jit3A_126 = arith.constant -1 : i32
      %broadcast_in_dim3A_127 = vector.broadcast %jit3A_126 : i32 to vector<512x1xi32>
      %select_n3A_128 = arith.select %lt3A_112, %sub3A_125, %broadcast_in_dim3A_127 : vector<512x1xi1>, vector<512x1xi32>
      %swap3A_129 = arith.constant 0 : index
      %swap3A_130 = arith.constant 0 : index
      %swap3A_131 = vector.load %arg6[%swap3A_129, %swap3A_130] : memref<512x1xi32, #tpu.memory_space<vmem>>, vector<512x1xi32>
      tpu.vector_store %arg6[%swap3A_129, %swap3A_130], %select_n3A_128 {strides = array<i32>} : memref<512x1xi32, #tpu.memory_space<vmem>>, vector<512x1xi32>,
      %reshape3A = vector.shape_cast %select_n3A_128 : vector<512x1xi32> to vector<1x512xi32>
      %iota3A_132 = tpu.iota {dimensions = array<i32: 0>} : vector<96x512xi32>
      %eq3A_133 = vector.broadcast %reshape3A : vector<1x512xi32> to vector<96x512xi32>
      %eq3A_134 = arith.cmpi eq, %iota3A_132, %eq3A_133 : vector<96x512xi32>
      %convert_element_type3A_135 = arith.extui %eq3A_134 : vector<96x512xi1> to vector<96x512xi32>
      %convert_element_type3A_136 = arith.sitofp %convert_element_type3A_135 : vector<96x512xi32> to vector<96x512xf32>
      %dot_general3A_137 = arith.constant dense<0.000000e+00> : vector<96x256xf32>
      %dot_general3A_138 = tpu.matmul %convert_element_type3A_136, %get3A_15, %dot_general3A_137 {dimension_numbers = #tpu.dot_dimension_numbers<[1], [0], [0], [1], [0, 0, 1, 1], [], []>, precision = #tpu.contract_precision<fp32>, transpose_lhs_hint = false} : vector<96x512xf32>, vector<512x256xf32>, vector<96x256xf32> -> vector<96x256xf32>
      %swap3A_139 = arith.constant 0 : index
      %swap3A_140 = arith.constant 0 : index
      %swap3A_141 = vector.load %arg7[%swap3A_139, %swap3A_140] : memref<96x256xf32, #tpu.memory_space<vmem>>, vector<96x256xf32>
      tpu.vector_store %arg7[%swap3A_139, %swap3A_140], %dot_general3A_138 {strides = array<i32>} : memref<96x256xf32, #tpu.memory_space<vmem>>, vector<96x256xf32>,
      %dot_general3A_142 = arith.constant dense<0.000000e+00> : vector<96x256xf32>
      %dot_general3A_143 = tpu.matmul %convert_element_type3A_136, %get3A_18, %dot_general3A_142 {dimension_numbers = #tpu.dot_dimension_numbers<[1], [0], [0], [1], [0, 0, 1, 1], [], []>, precision = #tpu.contract_precision<fp32>, transpose_lhs_hint = false} : vector<96x512xf32>, vector<512x256xf32>, vector<96x256xf32> -> vector<96x256xf32>
      %swap3A_144 = arith.constant 0 : index
      %swap3A_145 = arith.constant 0 : index
      %swap3A_146 = vector.load %arg8[%swap3A_144, %swap3A_145] : memref<96x256xf32, #tpu.memory_space<vmem>>, vector<96x256xf32>
      tpu.vector_store %arg8[%swap3A_144, %swap3A_145], %dot_general3A_143 {strides = array<i32>} : memref<96x256xf32, #tpu.memory_space<vmem>>, vector<96x256xf32>,
    } else {
    }
    %ge3A = arith.constant 1 : i32
    %ge3A_2 = arith.cmpi sge, %arg0, %ge3A : i32
    %le3A = arith.constant 3 : i32
    %le3A_3 = arith.cmpi sle, %arg0, %le3A : i32
    %and3A = arith.andi %ge3A_2, %le3A_3 : i1
    %convert_element_type3A_4 = arith.extui %and3A : i1 to i32
    %cond3A_5 = arith.constant 0 : i32
    %cond3A_6 = arith.cmpi ne, %convert_element_type3A_4, %cond3A_5 : i32
    scf.if %cond3A_6 {
      %sub3A = arith.constant 1 : i32
      %sub3A_12 = arith.subi %arg0, %sub3A : i32
      %mul3A = arith.constant 32 : i32
      %mul3A_13 = arith.muli %sub3A_12, %mul3A : i32
      %sqrt3A = arith.constant 2.560000e+02 : f32
      %sqrt3A_14 = math.sqrt %sqrt3A : f32
      %div3A = arith.constant 1.000000e+00 : f32
      %div3A_15 = arith.divf %div3A, %sqrt3A_14 : f32
      %get3A = arith.index_cast %mul3A_13 : i32 to index
      %get3A_16 = arith.constant 0 : index
      %get3A_17 = vector.load %arg7[%get3A, %get3A_16] : memref<96x256xf32, #tpu.memory_space<vmem>>, vector<32x256xf32>
      %get3A_18 = arith.index_cast %mul3A_13 : i32 to index
      %get3A_19 = arith.constant 0 : index
      %get3A_20 = vector.load %arg8[%get3A_18, %get3A_19] : memref<96x256xf32, #tpu.memory_space<vmem>>, vector<32x256xf32>
      %mul3A_21 = arith.mulf %get3A_20, %get3A_20 : vector<32x256xf32>
      %reduce_sum3A = arith.constant dense<0.000000e+00> : vector<32xf32>
      %reduce_sum3A_22 = vector.multi_reduction <add>, %mul3A_21, %reduce_sum3A [1] : vector<32x256xf32> to vector<32xf32>
      %broadcast_in_dim3A = vector.shape_cast %reduce_sum3A_22 : vector<32xf32> to vector<32x1xf32>
      %sqrt3A_23 = math.sqrt %broadcast_in_dim3A : vector<32x1xf32>
      %max3A = arith.constant 9.99999997E-7 : f32
      %max3A_24 = vector.broadcast %max3A : f32 to vector<32x1xf32>
      %max3A_25 = arith.maximumf %sqrt3A_23, %max3A_24 : vector<32x1xf32>
      %div3A_26 = vector.broadcast %max3A_25 : vector<32x1xf32> to vector<32x256xf32>
      %div3A_27 = arith.divf %get3A_20, %div3A_26 : vector<32x256xf32>
      %mul3A_28 = vector.broadcast %div3A_15 : f32 to vector<32x256xf32>
      %mul3A_29 = arith.mulf %div3A_27, %mul3A_28 : vector<32x256xf32>
      %transpose3A = tpu.transpose %mul3A_29, [1, 0] : vector<32x256xf32> -> vector<256x32xf32>
      %reduce_sum3A_30 = arith.constant dense<0.000000e+00> : vector<32xf32>
      %reduce_sum3A_31 = vector.multi_reduction <add>, %mul3A_29, %reduce_sum3A_30 [1] : vector<32x256xf32> to vector<32xf32>
      %broadcast_in_dim3A_32 = vector.shape_cast %reduce_sum3A_31 : vector<32xf32> to vector<32x1xf32>
      %iota3A = tpu.iota {dimensions = array<i32: 0>} : vector<256x256xi32>
      %iota3A_33 = tpu.iota {dimensions = array<i32: 1>} : vector<256x256xi32>
      %eq3A_34 = arith.cmpi eq, %iota3A, %iota3A_33 : vector<256x256xi32>
      %convert_element_type3A_35 = arith.extui %eq3A_34 : vector<256x256xi1> to vector<256x256xi32>
      %convert_element_type3A_36 = arith.sitofp %convert_element_type3A_35 : vector<256x256xi32> to vector<256x256xf32>
      %slice3A = vector.extract_strided_slice %transpose3A {offsets = [0, 0], sizes = [256, 1], strides = [1, 1]} : vector<256x32xf32> to vector<256x1xf32>
      %slice3A_37 = vector.extract_strided_slice %mul3A_29 {offsets = [0, 0], sizes = [1, 256], strides = [1, 1]} : vector<32x256xf32> to vector<1x256xf32>
      %sub3A_38 = vector.broadcast %slice3A : vector<256x1xf32> to vector<256x256xf32>
      %sub3A_39 = vector.broadcast %slice3A_37 : vector<1x256xf32> to vector<256x256xf32>
      %sub3A_40 = arith.subf %sub3A_38, %sub3A_39 : vector<256x256xf32>
      %dot_general3A = arith.constant dense<0.000000e+00> : vector<256x256xf32>
      %dot_general3A_41 = tpu.matmul %sub3A_40, %sub3A_40, %dot_general3A {dimension_numbers = #tpu.dot_dimension_numbers<[1], [0], [0], [1], [0, 0, 1, 1], [], []>, transpose_lhs_hint = false} : vector<256x256xf32>, vector<256x256xf32>, vector<256x256xf32> -> vector<256x256xf32>
      %add3A = arith.addf %convert_element_type3A_36, %sub3A_40 : vector<256x256xf32>
      %slice3A_42 = vector.extract_strided_slice %broadcast_in_dim3A_32 {offsets = [0, 0], sizes = [1, 1], strides = [1, 1]} : vector<32x1xf32> to vector<1x1xf32>
      %squeeze3A = vector.extract %slice3A_42[0, 0] : f32 from vector<1x1xf32>
      %add3A_43 = arith.constant 1.000000e+00 : f32
      %add3A_44 = arith.addf %add3A_43, %squeeze3A : f32
      %add3A_45 = arith.constant 9.99999997E-7 : f32
      %add3A_46 = arith.addf %add3A_44, %add3A_45 : f32
      %div3A_47 = vector.broadcast %add3A_46 : f32 to vector<256x256xf32>
      %div3A_48 = arith.divf %dot_general3A_41, %div3A_47 : vector<256x256xf32>
      %add3A_49 = arith.addf %add3A, %div3A_48 : vector<256x256xf32>
      %slice3A_50 = vector.extract_strided_slice %get3A_17 {offsets = [0, 0], sizes = [1, 256], strides = [1, 1]} : vector<32x256xf32> to vector<1x256xf32>
      %dot_general3A_51 = arith.constant dense<0.000000e+00> : vector<1x256xf32>
      %dot_general3A_52 = tpu.matmul %slice3A_50, %add3A_49, %dot_general3A_51 {dimension_numbers = #tpu.dot_dimension_numbers<[1], [0], [0], [1], [0, 0, 1, 1], [], []>, transpose_lhs_hint = false} : vector<1x256xf32>, vector<256x256xf32>, vector<1x256xf32> -> vector<1x256xf32>
      %slice3A_53 = vector.extract_strided_slice %transpose3A {offsets = [0, 1], sizes = [256, 1], strides = [1, 1]} : vector<256x32xf32> to vector<256x1xf32>
      %slice3A_54 = vector.extract_strided_slice %mul3A_29 {offsets = [1, 0], sizes = [1, 256], strides = [1, 1]} : vector<32x256xf32> to vector<1x256xf32>
      %sub3A_55 = vector.broadcast %slice3A_53 : vector<256x1xf32> to vector<256x256xf32>
      %sub3A_56 = vector.broadcast %slice3A_54 : vector<1x256xf32> to vector<256x256xf32>
      %sub3A_57 = arith.subf %sub3A_55, %sub3A_56 : vector<256x256xf32>
      %dot_general3A_58 = arith.constant dense<0.000000e+00> : vector<256x256xf32>
      %dot_general3A_59 = tpu.matmul %sub3A_57, %sub3A_57, %dot_general3A_58 {dimension_numbers = #tpu.dot_dimension_numbers<[1], [0], [0], [1], [0, 0, 1, 1], [], []>, transpose_lhs_hint = false} : vector<256x256xf32>, vector<256x256xf32>, vector<256x256xf32> -> vector<256x256xf32>
      %add3A_60 = arith.addf %convert_element_type3A_36, %sub3A_57 : vector<256x256xf32>
      %slice3A_61 = vector.extract_strided_slice %broadcast_in_dim3A_32 {offsets = [1, 0], sizes = [1, 1], strides = [1, 1]} : vector<32x1xf32> to vector<1x1xf32>
      %squeeze3A_62 = vector.extract %slice3A_61[0, 0] : f32 from vector<1x1xf32>
      %add3A_63 = arith.constant 1.000000e+00 : f32
      %add3A_64 = arith.addf %add3A_63, %squeeze3A_62 : f32
      %add3A_65 = arith.constant 9.99999997E-7 : f32
      %add3A_66 = arith.addf %add3A_64, %add3A_65 : f32
      %div3A_67 = vector.broadcast %add3A_66 : f32 to vector<256x256xf32>
      %div3A_68 = arith.divf %dot_general3A_59, %div3A_67 : vector<256x256xf32>
      %add3A_69 = arith.addf %add3A_60, %div3A_68 : vector<256x256xf32>
      %slice3A_70 = vector.extract_strided_slice %get3A_17 {offsets = [1, 0], sizes = [1, 256], strides = [1, 1]} : vector<32x256xf32> to vector<1x256xf32>
      %dot_general3A_71 = arith.constant dense<0.000000e+00> : vector<1x256xf32>
      %dot_general3A_72 = tpu.matmul %slice3A_70, %add3A_69, %dot_general3A_71 {dimension_numbers = #tpu.dot_dimension_numbers<[1], [0], [0], [1], [0, 0, 1, 1], [], []>, transpose_lhs_hint = false} : vector<1x256xf32>, vector<256x256xf32>, vector<1x256xf32> -> vector<1x256xf32>
      %slice3A_73 = vector.extract_strided_slice %transpose3A {offsets = [0, 2], sizes = [256, 1], strides = [1, 1]} : vector<256x32xf32> to vector<256x1xf32>
      %slice3A_74 = vector.extract_strided_slice %mul3A_29 {offsets = [2, 0], sizes = [1, 256], strides = [1, 1]} : vector<32x256xf32> to vector<1x256xf32>
      %sub3A_75 = vector.broadcast %slice3A_73 : vector<256x1xf32> to vector<256x256xf32>
      %sub3A_76 = vector.broadcast %slice3A_74 : vector<1x256xf32> to vector<256x256xf32>
      %sub3A_77 = arith.subf %sub3A_75, %sub3A_76 : vector<256x256xf32>
      %dot_general3A_78 = arith.constant dense<0.000000e+00> : vector<256x256xf32>
      %dot_general3A_79 = tpu.matmul %sub3A_77, %sub3A_77, %dot_general3A_78 {dimension_numbers = #tpu.dot_dimension_numbers<[1], [0], [0], [1], [0, 0, 1, 1], [], []>, transpose_lhs_hint = false} : vector<256x256xf32>, vector<256x256xf32>, vector<256x256xf32> -> vector<256x256xf32>
      %add3A_80 = arith.addf %convert_element_type3A_36, %sub3A_77 : vector<256x256xf32>
      %slice3A_81 = vector.extract_strided_slice %broadcast_in_dim3A_32 {offsets = [2, 0], sizes = [1, 1], strides = [1, 1]} : vector<32x1xf32> to vector<1x1xf32>
      %squeeze3A_82 = vector.extract %slice3A_81[0, 0] : f32 from vector<1x1xf32>
      %add3A_83 = arith.constant 1.000000e+00 : f32
      %add3A_84 = arith.addf %add3A_83, %squeeze3A_82 : f32
      %add3A_85 = arith.constant 9.99999997E-7 : f32
      %add3A_86 = arith.addf %add3A_84, %add3A_85 : f32
      %div3A_87 = vector.broadcast %add3A_86 : f32 to vector<256x256xf32>
      %div3A_88 = arith.divf %dot_general3A_79, %div3A_87 : vector<256x256xf32>
      %add3A_89 = arith.addf %add3A_80, %div3A_88 : vector<256x256xf32>
      %slice3A_90 = vector.extract_strided_slice %get3A_17 {offsets = [2, 0], sizes = [1, 256], strides = [1, 1]} : vector<32x256xf32> to vector<1x256xf32>
      %dot_general3A_91 = arith.constant dense<0.000000e+00> : vector<1x256xf32>
      %dot_general3A_92 = tpu.matmul %slice3A_90, %add3A_89, %dot_general3A_91 {dimension_numbers = #tpu.dot_dimension_numbers<[1], [0], [0], [1], [0, 0, 1, 1], [], []>, transpose_lhs_hint = false} : vector<1x256xf32>, vector<256x256xf32>, vector<1x256xf32> -> vector<1x256xf32>
      %slice3A_93 = vector.extract_strided_slice %transpose3A {offsets = [0, 3], sizes = [256, 1], strides = [1, 1]} : vector<256x32xf32> to vector<256x1xf32>
      %slice3A_94 = vector.extract_strided_slice %mul3A_29 {offsets = [3, 0], sizes = [1, 256], strides = [1, 1]} : vector<32x256xf32> to vector<1x256xf32>
      %sub3A_95 = vector.broadcast %slice3A_93 : vector<256x1xf32> to vector<256x256xf32>
      %sub3A_96 = vector.broadcast %slice3A_94 : vector<1x256xf32> to vector<256x256xf32>
      %sub3A_97 = arith.subf %sub3A_95, %sub3A_96 : vector<256x256xf32>
      %dot_general3A_98 = arith.constant dense<0.000000e+00> : vector<256x256xf32>
      %dot_general3A_99 = tpu.matmul %sub3A_97, %sub3A_97, %dot_general3A_98 {dimension_numbers = #tpu.dot_dimension_numbers<[1], [0], [0], [1], [0, 0, 1, 1], [], []>, transpose_lhs_hint = false} : vector<256x256xf32>, vector<256x256xf32>, vector<256x256xf32> -> vector<256x256xf32>
      %add3A_100 = arith.addf %convert_element_type3A_36, %sub3A_97 : vector<256x256xf32>
      %slice3A_101 = vector.extract_strided_slice %broadcast_in_dim3A_32 {offsets = [3, 0], sizes = [1, 1], strides = [1, 1]} : vector<32x1xf32> to vector<1x1xf32>
      %squeeze3A_102 = vector.extract %slice3A_101[0, 0] : f32 from vector<1x1xf32>
      %add3A_103 = arith.constant 1.000000e+00 : f32
      %add3A_104 = arith.addf %add3A_103, %squeeze3A_102 : f32
      %add3A_105 = arith.constant 9.99999997E-7 : f32
      %add3A_106 = arith.addf %add3A_104, %add3A_105 : f32
      %div3A_107 = vector.broadcast %add3A_106 : f32 to vector<256x256xf32>
      %div3A_108 = arith.divf %dot_general3A_99, %div3A_107 : vector<256x256xf32>
      %add3A_109 = arith.addf %add3A_100, %div3A_108 : vector<256x256xf32>
      %slice3A_110 = vector.extract_strided_slice %get3A_17 {offsets = [3, 0], sizes = [1, 256], strides = [1, 1]} : vector<32x256xf32> to vector<1x256xf32>
      %dot_general3A_111 = arith.constant dense<0.000000e+00> : vector<1x256xf32>
      %dot_general3A_112 = tpu.matmul %slice3A_110, %add3A_109, %dot_general3A_111 {dimension_numbers = #tpu.dot_dimension_numbers<[1], [0], [0], [1], [0, 0, 1, 1], [], []>, transpose_lhs_hint = false} : vector<1x256xf32>, vector<256x256xf32>, vector<1x256xf32> -> vector<1x256xf32>
      %slice3A_113 = vector.extract_strided_slice %transpose3A {offsets = [0, 4], sizes = [256, 1], strides = [1, 1]} : vector<256x32xf32> to vector<256x1xf32>
      %slice3A_114 = vector.extract_strided_slice %mul3A_29 {offsets = [4, 0], sizes = [1, 256], strides = [1, 1]} : vector<32x256xf32> to vector<1x256xf32>
      %sub3A_115 = vector.broadcast %slice3A_113 : vector<256x1xf32> to vector<256x256xf32>
      %sub3A_116 = vector.broadcast %slice3A_114 : vector<1x256xf32> to vector<256x256xf32>
      %sub3A_117 = arith.subf %sub3A_115, %sub3A_116 : vector<256x256xf32>
      %dot_general3A_118 = arith.constant dense<0.000000e+00> : vector<256x256xf32>
      %dot_general3A_119 = tpu.matmul %sub3A_117, %sub3A_117, %dot_general3A_118 {dimension_numbers = #tpu.dot_dimension_numbers<[1], [0], [0], [1], [0, 0, 1, 1], [], []>, transpose_lhs_hint = false} : vector<256x256xf32>, vector<256x256xf32>, vector<256x256xf32> -> vector<256x256xf32>
      %add3A_120 = arith.addf %convert_element_type3A_36, %sub3A_117 : vector<256x256xf32>
      %slice3A_121 = vector.extract_strided_slice %broadcast_in_dim3A_32 {offsets = [4, 0], sizes = [1, 1], strides = [1, 1]} : vector<32x1xf32> to vector<1x1xf32>
      %squeeze3A_122 = vector.extract %slice3A_121[0, 0] : f32 from vector<1x1xf32>
      %add3A_123 = arith.constant 1.000000e+00 : f32
      %add3A_124 = arith.addf %add3A_123, %squeeze3A_122 : f32
      %add3A_125 = arith.constant 9.99999997E-7 : f32
      %add3A_126 = arith.addf %add3A_124, %add3A_125 : f32
      %div3A_127 = vector.broadcast %add3A_126 : f32 to vector<256x256xf32>
      %div3A_128 = arith.divf %dot_general3A_119, %div3A_127 : vector<256x256xf32>
      %add3A_129 = arith.addf %add3A_120, %div3A_128 : vector<256x256xf32>
      %slice3A_130 = vector.extract_strided_slice %get3A_17 {offsets = [4, 0], sizes = [1, 256], strides = [1, 1]} : vector<32x256xf32> to vector<1x256xf32>
      %dot_general3A_131 = arith.constant dense<0.000000e+00> : vector<1x256xf32>
      %dot_general3A_132 = tpu.matmul %slice3A_130, %add3A_129, %dot_general3A_131 {dimension_numbers = #tpu.dot_dimension_numbers<[1], [0], [0], [1], [0, 0, 1, 1], [], []>, transpose_lhs_hint = false} : vector<1x256xf32>, vector<256x256xf32>, vector<1x256xf32> -> vector<1x256xf32>
      %slice3A_133 = vector.extract_strided_slice %transpose3A {offsets = [0, 5], sizes = [256, 1], strides = [1, 1]} : vector<256x32xf32> to vector<256x1xf32>
      %slice3A_134 = vector.extract_strided_slice %mul3A_29 {offsets = [5, 0], sizes = [1, 256], strides = [1, 1]} : vector<32x256xf32> to vector<1x256xf32>
      %sub3A_135 = vector.broadcast %slice3A_133 : vector<256x1xf32> to vector<256x256xf32>
      %sub3A_136 = vector.broadcast %slice3A_134 : vector<1x256xf32> to vector<256x256xf32>
      %sub3A_137 = arith.subf %sub3A_135, %sub3A_136 : vector<256x256xf32>
      %dot_general3A_138 = arith.constant dense<0.000000e+00> : vector<256x256xf32>
      %dot_general3A_139 = tpu.matmul %sub3A_137, %sub3A_137, %dot_general3A_138 {dimension_numbers = #tpu.dot_dimension_numbers<[1], [0], [0], [1], [0, 0, 1, 1], [], []>, transpose_lhs_hint = false} : vector<256x256xf32>, vector<256x256xf32>, vector<256x256xf32> -> vector<256x256xf32>
      %add3A_140 = arith.addf %convert_element_type3A_36, %sub3A_137 : vector<256x256xf32>
      %slice3A_141 = vector.extract_strided_slice %broadcast_in_dim3A_32 {offsets = [5, 0], sizes = [1, 1], strides = [1, 1]} : vector<32x1xf32> to vector<1x1xf32>
      %squeeze3A_142 = vector.extract %slice3A_141[0, 0] : f32 from vector<1x1xf32>
      %add3A_143 = arith.constant 1.000000e+00 : f32
      %add3A_144 = arith.addf %add3A_143, %squeeze3A_142 : f32
      %add3A_145 = arith.constant 9.99999997E-7 : f32
      %add3A_146 = arith.addf %add3A_144, %add3A_145 : f32
      %div3A_147 = vector.broadcast %add3A_146 : f32 to vector<256x256xf32>
      %div3A_148 = arith.divf %dot_general3A_139, %div3A_147 : vector<256x256xf32>
      %add3A_149 = arith.addf %add3A_140, %div3A_148 : vector<256x256xf32>
      %slice3A_150 = vector.extract_strided_slice %get3A_17 {offsets = [5, 0], sizes = [1, 256], strides = [1, 1]} : vector<32x256xf32> to vector<1x256xf32>
      %dot_general3A_151 = arith.constant dense<0.000000e+00> : vector<1x256xf32>
      %dot_general3A_152 = tpu.matmul %slice3A_150, %add3A_149, %dot_general3A_151 {dimension_numbers = #tpu.dot_dimension_numbers<[1], [0], [0], [1], [0, 0, 1, 1], [], []>, transpose_lhs_hint = false} : vector<1x256xf32>, vector<256x256xf32>, vector<1x256xf32> -> vector<1x256xf32>
      %slice3A_153 = vector.extract_strided_slice %transpose3A {offsets = [0, 6], sizes = [256, 1], strides = [1, 1]} : vector<256x32xf32> to vector<256x1xf32>
      %slice3A_154 = vector.extract_strided_slice %mul3A_29 {offsets = [6, 0], sizes = [1, 256], strides = [1, 1]} : vector<32x256xf32> to vector<1x256xf32>
      %sub3A_155 = vector.broadcast %slice3A_153 : vector<256x1xf32> to vector<256x256xf32>
      %sub3A_156 = vector.broadcast %slice3A_154 : vector<1x256xf32> to vector<256x256xf32>
      %sub3A_157 = arith.subf %sub3A_155, %sub3A_156 : vector<256x256xf32>
      %dot_general3A_158 = arith.constant dense<0.000000e+00> : vector<256x256xf32>
      %dot_general3A_159 = tpu.matmul %sub3A_157, %sub3A_157, %dot_general3A_158 {dimension_numbers = #tpu.dot_dimension_numbers<[1], [0], [0], [1], [0, 0, 1, 1], [], []>, transpose_lhs_hint = false} : vector<256x256xf32>, vector<256x256xf32>, vector<256x256xf32> -> vector<256x256xf32>
      %add3A_160 = arith.addf %convert_element_type3A_36, %sub3A_157 : vector<256x256xf32>
      %slice3A_161 = vector.extract_strided_slice %broadcast_in_dim3A_32 {offsets = [6, 0], sizes = [1, 1], strides = [1, 1]} : vector<32x1xf32> to vector<1x1xf32>
      %squeeze3A_162 = vector.extract %slice3A_161[0, 0] : f32 from vector<1x1xf32>
      %add3A_163 = arith.constant 1.000000e+00 : f32
      %add3A_164 = arith.addf %add3A_163, %squeeze3A_162 : f32
      %add3A_165 = arith.constant 9.99999997E-7 : f32
      %add3A_166 = arith.addf %add3A_164, %add3A_165 : f32
      %div3A_167 = vector.broadcast %add3A_166 : f32 to vector<256x256xf32>
      %div3A_168 = arith.divf %dot_general3A_159, %div3A_167 : vector<256x256xf32>
      %add3A_169 = arith.addf %add3A_160, %div3A_168 : vector<256x256xf32>
      %slice3A_170 = vector.extract_strided_slice %get3A_17 {offsets = [6, 0], sizes = [1, 256], strides = [1, 1]} : vector<32x256xf32> to vector<1x256xf32>
      %dot_general3A_171 = arith.constant dense<0.000000e+00> : vector<1x256xf32>
      %dot_general3A_172 = tpu.matmul %slice3A_170, %add3A_169, %dot_general3A_171 {dimension_numbers = #tpu.dot_dimension_numbers<[1], [0], [0], [1], [0, 0, 1, 1], [], []>, transpose_lhs_hint = false} : vector<1x256xf32>, vector<256x256xf32>, vector<1x256xf32> -> vector<1x256xf32>
      %slice3A_173 = vector.extract_strided_slice %transpose3A {offsets = [0, 7], sizes = [256, 1], strides = [1, 1]} : vector<256x32xf32> to vector<256x1xf32>
      %slice3A_174 = vector.extract_strided_slice %mul3A_29 {offsets = [7, 0], sizes = [1, 256], strides = [1, 1]} : vector<32x256xf32> to vector<1x256xf32>
      %sub3A_175 = vector.broadcast %slice3A_173 : vector<256x1xf32> to vector<256x256xf32>
      %sub3A_176 = vector.broadcast %slice3A_174 : vector<1x256xf32> to vector<256x256xf32>
      %sub3A_177 = arith.subf %sub3A_175, %sub3A_176 : vector<256x256xf32>
      %dot_general3A_178 = arith.constant dense<0.000000e+00> : vector<256x256xf32>
      %dot_general3A_179 = tpu.matmul %sub3A_177, %sub3A_177, %dot_general3A_178 {dimension_numbers = #tpu.dot_dimension_numbers<[1], [0], [0], [1], [0, 0, 1, 1], [], []>, transpose_lhs_hint = false} : vector<256x256xf32>, vector<256x256xf32>, vector<256x256xf32> -> vector<256x256xf32>
      %add3A_180 = arith.addf %convert_element_type3A_36, %sub3A_177 : vector<256x256xf32>
      %slice3A_181 = vector.extract_strided_slice %broadcast_in_dim3A_32 {offsets = [7, 0], sizes = [1, 1], strides = [1, 1]} : vector<32x1xf32> to vector<1x1xf32>
      %squeeze3A_182 = vector.extract %slice3A_181[0, 0] : f32 from vector<1x1xf32>
      %add3A_183 = arith.constant 1.000000e+00 : f32
      %add3A_184 = arith.addf %add3A_183, %squeeze3A_182 : f32
      %add3A_185 = arith.constant 9.99999997E-7 : f32
      %add3A_186 = arith.addf %add3A_184, %add3A_185 : f32
      %div3A_187 = vector.broadcast %add3A_186 : f32 to vector<256x256xf32>
      %div3A_188 = arith.divf %dot_general3A_179, %div3A_187 : vector<256x256xf32>
      %add3A_189 = arith.addf %add3A_180, %div3A_188 : vector<256x256xf32>
      %slice3A_190 = vector.extract_strided_slice %get3A_17 {offsets = [7, 0], sizes = [1, 256], strides = [1, 1]} : vector<32x256xf32> to vector<1x256xf32>
      %dot_general3A_191 = arith.constant dense<0.000000e+00> : vector<1x256xf32>
      %dot_general3A_192 = tpu.matmul %slice3A_190, %add3A_189, %dot_general3A_191 {dimension_numbers = #tpu.dot_dimension_numbers<[1], [0], [0], [1], [0, 0, 1, 1], [], []>, transpose_lhs_hint = false} : vector<1x256xf32>, vector<256x256xf32>, vector<1x256xf32> -> vector<1x256xf32>
      %slice3A_193 = vector.extract_strided_slice %transpose3A {offsets = [0, 8], sizes = [256, 1], strides = [1, 1]} : vector<256x32xf32> to vector<256x1xf32>
      %slice3A_194 = vector.extract_strided_slice %mul3A_29 {offsets = [8, 0], sizes = [1, 256], strides = [1, 1]} : vector<32x256xf32> to vector<1x256xf32>
      %sub3A_195 = vector.broadcast %slice3A_193 : vector<256x1xf32> to vector<256x256xf32>
      %sub3A_196 = vector.broadcast %slice3A_194 : vector<1x256xf32> to vector<256x256xf32>
      %sub3A_197 = arith.subf %sub3A_195, %sub3A_196 : vector<256x256xf32>
      %dot_general3A_198 = arith.constant dense<0.000000e+00> : vector<256x256xf32>
      %dot_general3A_199 = tpu.matmul %sub3A_197, %sub3A_197, %dot_general3A_198 {dimension_numbers = #tpu.dot_dimension_numbers<[1], [0], [0], [1], [0, 0, 1, 1], [], []>, transpose_lhs_hint = false} : vector<256x256xf32>, vector<256x256xf32>, vector<256x256xf32> -> vector<256x256xf32>
      %add3A_200 = arith.addf %convert_element_type3A_36, %sub3A_197 : vector<256x256xf32>
      %slice3A_201 = vector.extract_strided_slice %broadcast_in_dim3A_32 {offsets = [8, 0], sizes = [1, 1], strides = [1, 1]} : vector<32x1xf32> to vector<1x1xf32>
      %squeeze3A_202 = vector.extract %slice3A_201[0, 0] : f32 from vector<1x1xf32>
      %add3A_203 = arith.constant 1.000000e+00 : f32
      %add3A_204 = arith.addf %add3A_203, %squeeze3A_202 : f32
      %add3A_205 = arith.constant 9.99999997E-7 : f32
      %add3A_206 = arith.addf %add3A_204, %add3A_205 : f32
      %div3A_207 = vector.broadcast %add3A_206 : f32 to vector<256x256xf32>
      %div3A_208 = arith.divf %dot_general3A_199, %div3A_207 : vector<256x256xf32>
      %add3A_209 = arith.addf %add3A_200, %div3A_208 : vector<256x256xf32>
      %slice3A_210 = vector.extract_strided_slice %get3A_17 {offsets = [8, 0], sizes = [1, 256], strides = [1, 1]} : vector<32x256xf32> to vector<1x256xf32>
      %dot_general3A_211 = arith.constant dense<0.000000e+00> : vector<1x256xf32>
      %dot_general3A_212 = tpu.matmul %slice3A_210, %add3A_209, %dot_general3A_211 {dimension_numbers = #tpu.dot_dimension_numbers<[1], [0], [0], [1], [0, 0, 1, 1], [], []>, transpose_lhs_hint = false} : vector<1x256xf32>, vector<256x256xf32>, vector<1x256xf32> -> vector<1x256xf32>
      %slice3A_213 = vector.extract_strided_slice %transpose3A {offsets = [0, 9], sizes = [256, 1], strides = [1, 1]} : vector<256x32xf32> to vector<256x1xf32>
      %slice3A_214 = vector.extract_strided_slice %mul3A_29 {offsets = [9, 0], sizes = [1, 256], strides = [1, 1]} : vector<32x256xf32> to vector<1x256xf32>
      %sub3A_215 = vector.broadcast %slice3A_213 : vector<256x1xf32> to vector<256x256xf32>
      %sub3A_216 = vector.broadcast %slice3A_214 : vector<1x256xf32> to vector<256x256xf32>
      %sub3A_217 = arith.subf %sub3A_215, %sub3A_216 : vector<256x256xf32>
      %dot_general3A_218 = arith.constant dense<0.000000e+00> : vector<256x256xf32>
      %dot_general3A_219 = tpu.matmul %sub3A_217, %sub3A_217, %dot_general3A_218 {dimension_numbers = #tpu.dot_dimension_numbers<[1], [0], [0], [1], [0, 0, 1, 1], [], []>, transpose_lhs_hint = false} : vector<256x256xf32>, vector<256x256xf32>, vector<256x256xf32> -> vector<256x256xf32>
      %add3A_220 = arith.addf %convert_element_type3A_36, %sub3A_217 : vector<256x256xf32>
      %slice3A_221 = vector.extract_strided_slice %broadcast_in_dim3A_32 {offsets = [9, 0], sizes = [1, 1], strides = [1, 1]} : vector<32x1xf32> to vector<1x1xf32>
      %squeeze3A_222 = vector.extract %slice3A_221[0, 0] : f32 from vector<1x1xf32>
      %add3A_223 = arith.constant 1.000000e+00 : f32
      %add3A_224 = arith.addf %add3A_223, %squeeze3A_222 : f32
      %add3A_225 = arith.constant 9.99999997E-7 : f32
      %add3A_226 = arith.addf %add3A_224, %add3A_225 : f32
      %div3A_227 = vector.broadcast %add3A_226 : f32 to vector<256x256xf32>
      %div3A_228 = arith.divf %dot_general3A_219, %div3A_227 : vector<256x256xf32>
      %add3A_229 = arith.addf %add3A_220, %div3A_228 : vector<256x256xf32>
      %slice3A_230 = vector.extract_strided_slice %get3A_17 {offsets = [9, 0], sizes = [1, 256], strides = [1, 1]} : vector<32x256xf32> to vector<1x256xf32>
      %dot_general3A_231 = arith.constant dense<0.000000e+00> : vector<1x256xf32>
      %dot_general3A_232 = tpu.matmul %slice3A_230, %add3A_229, %dot_general3A_231 {dimension_numbers = #tpu.dot_dimension_numbers<[1], [0], [0], [1], [0, 0, 1, 1], [], []>, transpose_lhs_hint = false} : vector<1x256xf32>, vector<256x256xf32>, vector<1x256xf32> -> vector<1x256xf32>
      %slice3A_233 = vector.extract_strided_slice %transpose3A {offsets = [0, 10], sizes = [256, 1], strides = [1, 1]} : vector<256x32xf32> to vector<256x1xf32>
      %slice3A_234 = vector.extract_strided_slice %mul3A_29 {offsets = [10, 0], sizes = [1, 256], strides = [1, 1]} : vector<32x256xf32> to vector<1x256xf32>
      %sub3A_235 = vector.broadcast %slice3A_233 : vector<256x1xf32> to vector<256x256xf32>
      %sub3A_236 = vector.broadcast %slice3A_234 : vector<1x256xf32> to vector<256x256xf32>
      %sub3A_237 = arith.subf %sub3A_235, %sub3A_236 : vector<256x256xf32>
      %dot_general3A_238 = arith.constant dense<0.000000e+00> : vector<256x256xf32>
      %dot_general3A_239 = tpu.matmul %sub3A_237, %sub3A_237, %dot_general3A_238 {dimension_numbers = #tpu.dot_dimension_numbers<[1], [0], [0], [1], [0, 0, 1, 1], [], []>, transpose_lhs_hint = false} : vector<256x256xf32>, vector<256x256xf32>, vector<256x256xf32> -> vector<256x256xf32>
      %add3A_240 = arith.addf %convert_element_type3A_36, %sub3A_237 : vector<256x256xf32>
      %slice3A_241 = vector.extract_strided_slice %broadcast_in_dim3A_32 {offsets = [10, 0], sizes = [1, 1], strides = [1, 1]} : vector<32x1xf32> to vector<1x1xf32>
      %squeeze3A_242 = vector.extract %slice3A_241[0, 0] : f32 from vector<1x1xf32>
      %add3A_243 = arith.constant 1.000000e+00 : f32
      %add3A_244 = arith.addf %add3A_243, %squeeze3A_242 : f32
      %add3A_245 = arith.constant 9.99999997E-7 : f32
      %add3A_246 = arith.addf %add3A_244, %add3A_245 : f32
      %div3A_247 = vector.broadcast %add3A_246 : f32 to vector<256x256xf32>
      %div3A_248 = arith.divf %dot_general3A_239, %div3A_247 : vector<256x256xf32>
      %add3A_249 = arith.addf %add3A_240, %div3A_248 : vector<256x256xf32>
      %slice3A_250 = vector.extract_strided_slice %get3A_17 {offsets = [10, 0], sizes = [1, 256], strides = [1, 1]} : vector<32x256xf32> to vector<1x256xf32>
      %dot_general3A_251 = arith.constant dense<0.000000e+00> : vector<1x256xf32>
      %dot_general3A_252 = tpu.matmul %slice3A_250, %add3A_249, %dot_general3A_251 {dimension_numbers = #tpu.dot_dimension_numbers<[1], [0], [0], [1], [0, 0, 1, 1], [], []>, transpose_lhs_hint = false} : vector<1x256xf32>, vector<256x256xf32>, vector<1x256xf32> -> vector<1x256xf32>
      %slice3A_253 = vector.extract_strided_slice %transpose3A {offsets = [0, 11], sizes = [256, 1], strides = [1, 1]} : vector<256x32xf32> to vector<256x1xf32>
      %slice3A_254 = vector.extract_strided_slice %mul3A_29 {offsets = [11, 0], sizes = [1, 256], strides = [1, 1]} : vector<32x256xf32> to vector<1x256xf32>
      %sub3A_255 = vector.broadcast %slice3A_253 : vector<256x1xf32> to vector<256x256xf32>
      %sub3A_256 = vector.broadcast %slice3A_254 : vector<1x256xf32> to vector<256x256xf32>
      %sub3A_257 = arith.subf %sub3A_255, %sub3A_256 : vector<256x256xf32>
      %dot_general3A_258 = arith.constant dense<0.000000e+00> : vector<256x256xf32>
      %dot_general3A_259 = tpu.matmul %sub3A_257, %sub3A_257, %dot_general3A_258 {dimension_numbers = #tpu.dot_dimension_numbers<[1], [0], [0], [1], [0, 0, 1, 1], [], []>, transpose_lhs_hint = false} : vector<256x256xf32>, vector<256x256xf32>, vector<256x256xf32> -> vector<256x256xf32>
      %add3A_260 = arith.addf %convert_element_type3A_36, %sub3A_257 : vector<256x256xf32>
      %slice3A_261 = vector.extract_strided_slice %broadcast_in_dim3A_32 {offsets = [11, 0], sizes = [1, 1], strides = [1, 1]} : vector<32x1xf32> to vector<1x1xf32>
      %squeeze3A_262 = vector.extract %slice3A_261[0, 0] : f32 from vector<1x1xf32>
      %add3A_263 = arith.constant 1.000000e+00 : f32
      %add3A_264 = arith.addf %add3A_263, %squeeze3A_262 : f32
      %add3A_265 = arith.constant 9.99999997E-7 : f32
      %add3A_266 = arith.addf %add3A_264, %add3A_265 : f32
      %div3A_267 = vector.broadcast %add3A_266 : f32 to vector<256x256xf32>
      %div3A_268 = arith.divf %dot_general3A_259, %div3A_267 : vector<256x256xf32>
      %add3A_269 = arith.addf %add3A_260, %div3A_268 : vector<256x256xf32>
      %slice3A_270 = vector.extract_strided_slice %get3A_17 {offsets = [11, 0], sizes = [1, 256], strides = [1, 1]} : vector<32x256xf32> to vector<1x256xf32>
      %dot_general3A_271 = arith.constant dense<0.000000e+00> : vector<1x256xf32>
      %dot_general3A_272 = tpu.matmul %slice3A_270, %add3A_269, %dot_general3A_271 {dimension_numbers = #tpu.dot_dimension_numbers<[1], [0], [0], [1], [0, 0, 1, 1], [], []>, transpose_lhs_hint = false} : vector<1x256xf32>, vector<256x256xf32>, vector<1x256xf32> -> vector<1x256xf32>
      %slice3A_273 = vector.extract_strided_slice %transpose3A {offsets = [0, 12], sizes = [256, 1], strides = [1, 1]} : vector<256x32xf32> to vector<256x1xf32>
      %slice3A_274 = vector.extract_strided_slice %mul3A_29 {offsets = [12, 0], sizes = [1, 256], strides = [1, 1]} : vector<32x256xf32> to vector<1x256xf32>
      %sub3A_275 = vector.broadcast %slice3A_273 : vector<256x1xf32> to vector<256x256xf32>
      %sub3A_276 = vector.broadcast %slice3A_274 : vector<1x256xf32> to vector<256x256xf32>
      %sub3A_277 = arith.subf %sub3A_275, %sub3A_276 : vector<256x256xf32>
      %dot_general3A_278 = arith.constant dense<0.000000e+00> : vector<256x256xf32>
      %dot_general3A_279 = tpu.matmul %sub3A_277, %sub3A_277, %dot_general3A_278 {dimension_numbers = #tpu.dot_dimension_numbers<[1], [0], [0], [1], [0, 0, 1, 1], [], []>, transpose_lhs_hint = false} : vector<256x256xf32>, vector<256x256xf32>, vector<256x256xf32> -> vector<256x256xf32>
      %add3A_280 = arith.addf %convert_element_type3A_36, %sub3A_277 : vector<256x256xf32>
      %slice3A_281 = vector.extract_strided_slice %broadcast_in_dim3A_32 {offsets = [12, 0], sizes = [1, 1], strides = [1, 1]} : vector<32x1xf32> to vector<1x1xf32>
      %squeeze3A_282 = vector.extract %slice3A_281[0, 0] : f32 from vector<1x1xf32>
      %add3A_283 = arith.constant 1.000000e+00 : f32
      %add3A_284 = arith.addf %add3A_283, %squeeze3A_282 : f32
      %add3A_285 = arith.constant 9.99999997E-7 : f32
      %add3A_286 = arith.addf %add3A_284, %add3A_285 : f32
      %div3A_287 = vector.broadcast %add3A_286 : f32 to vector<256x256xf32>
      %div3A_288 = arith.divf %dot_general3A_279, %div3A_287 : vector<256x256xf32>
      %add3A_289 = arith.addf %add3A_280, %div3A_288 : vector<256x256xf32>
      %slice3A_290 = vector.extract_strided_slice %get3A_17 {offsets = [12, 0], sizes = [1, 256], strides = [1, 1]} : vector<32x256xf32> to vector<1x256xf32>
      %dot_general3A_291 = arith.constant dense<0.000000e+00> : vector<1x256xf32>
      %dot_general3A_292 = tpu.matmul %slice3A_290, %add3A_289, %dot_general3A_291 {dimension_numbers = #tpu.dot_dimension_numbers<[1], [0], [0], [1], [0, 0, 1, 1], [], []>, transpose_lhs_hint = false} : vector<1x256xf32>, vector<256x256xf32>, vector<1x256xf32> -> vector<1x256xf32>
      %slice3A_293 = vector.extract_strided_slice %transpose3A {offsets = [0, 13], sizes = [256, 1], strides = [1, 1]} : vector<256x32xf32> to vector<256x1xf32>
      %slice3A_294 = vector.extract_strided_slice %mul3A_29 {offsets = [13, 0], sizes = [1, 256], strides = [1, 1]} : vector<32x256xf32> to vector<1x256xf32>
      %sub3A_295 = vector.broadcast %slice3A_293 : vector<256x1xf32> to vector<256x256xf32>
      %sub3A_296 = vector.broadcast %slice3A_294 : vector<1x256xf32> to vector<256x256xf32>
      %sub3A_297 = arith.subf %sub3A_295, %sub3A_296 : vector<256x256xf32>
      %dot_general3A_298 = arith.constant dense<0.000000e+00> : vector<256x256xf32>
      %dot_general3A_299 = tpu.matmul %sub3A_297, %sub3A_297, %dot_general3A_298 {dimension_numbers = #tpu.dot_dimension_numbers<[1], [0], [0], [1], [0, 0, 1, 1], [], []>, transpose_lhs_hint = false} : vector<256x256xf32>, vector<256x256xf32>, vector<256x256xf32> -> vector<256x256xf32>
      %add3A_300 = arith.addf %convert_element_type3A_36, %sub3A_297 : vector<256x256xf32>
      %slice3A_301 = vector.extract_strided_slice %broadcast_in_dim3A_32 {offsets = [13, 0], sizes = [1, 1], strides = [1, 1]} : vector<32x1xf32> to vector<1x1xf32>
      %squeeze3A_302 = vector.extract %slice3A_301[0, 0] : f32 from vector<1x1xf32>
      %add3A_303 = arith.constant 1.000000e+00 : f32
      %add3A_304 = arith.addf %add3A_303, %squeeze3A_302 : f32
      %add3A_305 = arith.constant 9.99999997E-7 : f32
      %add3A_306 = arith.addf %add3A_304, %add3A_305 : f32
      %div3A_307 = vector.broadcast %add3A_306 : f32 to vector<256x256xf32>
      %div3A_308 = arith.divf %dot_general3A_299, %div3A_307 : vector<256x256xf32>
      %add3A_309 = arith.addf %add3A_300, %div3A_308 : vector<256x256xf32>
      %slice3A_310 = vector.extract_strided_slice %get3A_17 {offsets = [13, 0], sizes = [1, 256], strides = [1, 1]} : vector<32x256xf32> to vector<1x256xf32>
      %dot_general3A_311 = arith.constant dense<0.000000e+00> : vector<1x256xf32>
      %dot_general3A_312 = tpu.matmul %slice3A_310, %add3A_309, %dot_general3A_311 {dimension_numbers = #tpu.dot_dimension_numbers<[1], [0], [0], [1], [0, 0, 1, 1], [], []>, transpose_lhs_hint = false} : vector<1x256xf32>, vector<256x256xf32>, vector<1x256xf32> -> vector<1x256xf32>
      %slice3A_313 = vector.extract_strided_slice %transpose3A {offsets = [0, 14], sizes = [256, 1], strides = [1, 1]} : vector<256x32xf32> to vector<256x1xf32>
      %slice3A_314 = vector.extract_strided_slice %mul3A_29 {offsets = [14, 0], sizes = [1, 256], strides = [1, 1]} : vector<32x256xf32> to vector<1x256xf32>
      %sub3A_315 = vector.broadcast %slice3A_313 : vector<256x1xf32> to vector<256x256xf32>
      %sub3A_316 = vector.broadcast %slice3A_314 : vector<1x256xf32> to vector<256x256xf32>
      %sub3A_317 = arith.subf %sub3A_315, %sub3A_316 : vector<256x256xf32>
      %dot_general3A_318 = arith.constant dense<0.000000e+00> : vector<256x256xf32>
      %dot_general3A_319 = tpu.matmul %sub3A_317, %sub3A_317, %dot_general3A_318 {dimension_numbers = #tpu.dot_dimension_numbers<[1], [0], [0], [1], [0, 0, 1, 1], [], []>, transpose_lhs_hint = false} : vector<256x256xf32>, vector<256x256xf32>, vector<256x256xf32> -> vector<256x256xf32>
      %add3A_320 = arith.addf %convert_element_type3A_36, %sub3A_317 : vector<256x256xf32>
      %slice3A_321 = vector.extract_strided_slice %broadcast_in_dim3A_32 {offsets = [14, 0], sizes = [1, 1], strides = [1, 1]} : vector<32x1xf32> to vector<1x1xf32>
      %squeeze3A_322 = vector.extract %slice3A_321[0, 0] : f32 from vector<1x1xf32>
      %add3A_323 = arith.constant 1.000000e+00 : f32
      %add3A_324 = arith.addf %add3A_323, %squeeze3A_322 : f32
      %add3A_325 = arith.constant 9.99999997E-7 : f32
      %add3A_326 = arith.addf %add3A_324, %add3A_325 : f32
      %div3A_327 = vector.broadcast %add3A_326 : f32 to vector<256x256xf32>
      %div3A_328 = arith.divf %dot_general3A_319, %div3A_327 : vector<256x256xf32>
      %add3A_329 = arith.addf %add3A_320, %div3A_328 : vector<256x256xf32>
      %slice3A_330 = vector.extract_strided_slice %get3A_17 {offsets = [14, 0], sizes = [1, 256], strides = [1, 1]} : vector<32x256xf32> to vector<1x256xf32>
      %dot_general3A_331 = arith.constant dense<0.000000e+00> : vector<1x256xf32>
      %dot_general3A_332 = tpu.matmul %slice3A_330, %add3A_329, %dot_general3A_331 {dimension_numbers = #tpu.dot_dimension_numbers<[1], [0], [0], [1], [0, 0, 1, 1], [], []>, transpose_lhs_hint = false} : vector<1x256xf32>, vector<256x256xf32>, vector<1x256xf32> -> vector<1x256xf32>
      %slice3A_333 = vector.extract_strided_slice %transpose3A {offsets = [0, 15], sizes = [256, 1], strides = [1, 1]} : vector<256x32xf32> to vector<256x1xf32>
      %slice3A_334 = vector.extract_strided_slice %mul3A_29 {offsets = [15, 0], sizes = [1, 256], strides = [1, 1]} : vector<32x256xf32> to vector<1x256xf32>
      %sub3A_335 = vector.broadcast %slice3A_333 : vector<256x1xf32> to vector<256x256xf32>
      %sub3A_336 = vector.broadcast %slice3A_334 : vector<1x256xf32> to vector<256x256xf32>
      %sub3A_337 = arith.subf %sub3A_335, %sub3A_336 : vector<256x256xf32>
      %dot_general3A_338 = arith.constant dense<0.000000e+00> : vector<256x256xf32>
      %dot_general3A_339 = tpu.matmul %sub3A_337, %sub3A_337, %dot_general3A_338 {dimension_numbers = #tpu.dot_dimension_numbers<[1], [0], [0], [1], [0, 0, 1, 1], [], []>, transpose_lhs_hint = false} : vector<256x256xf32>, vector<256x256xf32>, vector<256x256xf32> -> vector<256x256xf32>
      %add3A_340 = arith.addf %convert_element_type3A_36, %sub3A_337 : vector<256x256xf32>
      %slice3A_341 = vector.extract_strided_slice %broadcast_in_dim3A_32 {offsets = [15, 0], sizes = [1, 1], strides = [1, 1]} : vector<32x1xf32> to vector<1x1xf32>
      %squeeze3A_342 = vector.extract %slice3A_341[0, 0] : f32 from vector<1x1xf32>
      %add3A_343 = arith.constant 1.000000e+00 : f32
      %add3A_344 = arith.addf %add3A_343, %squeeze3A_342 : f32
      %add3A_345 = arith.constant 9.99999997E-7 : f32
      %add3A_346 = arith.addf %add3A_344, %add3A_345 : f32
      %div3A_347 = vector.broadcast %add3A_346 : f32 to vector<256x256xf32>
      %div3A_348 = arith.divf %dot_general3A_339, %div3A_347 : vector<256x256xf32>
      %add3A_349 = arith.addf %add3A_340, %div3A_348 : vector<256x256xf32>
      %slice3A_350 = vector.extract_strided_slice %get3A_17 {offsets = [15, 0], sizes = [1, 256], strides = [1, 1]} : vector<32x256xf32> to vector<1x256xf32>
      %dot_general3A_351 = arith.constant dense<0.000000e+00> : vector<1x256xf32>
      %dot_general3A_352 = tpu.matmul %slice3A_350, %add3A_349, %dot_general3A_351 {dimension_numbers = #tpu.dot_dimension_numbers<[1], [0], [0], [1], [0, 0, 1, 1], [], []>, transpose_lhs_hint = false} : vector<1x256xf32>, vector<256x256xf32>, vector<1x256xf32> -> vector<1x256xf32>
      %slice3A_353 = vector.extract_strided_slice %transpose3A {offsets = [0, 16], sizes = [256, 1], strides = [1, 1]} : vector<256x32xf32> to vector<256x1xf32>
      %slice3A_354 = vector.extract_strided_slice %mul3A_29 {offsets = [16, 0], sizes = [1, 256], strides = [1, 1]} : vector<32x256xf32> to vector<1x256xf32>
      %sub3A_355 = vector.broadcast %slice3A_353 : vector<256x1xf32> to vector<256x256xf32>
      %sub3A_356 = vector.broadcast %slice3A_354 : vector<1x256xf32> to vector<256x256xf32>
      %sub3A_357 = arith.subf %sub3A_355, %sub3A_356 : vector<256x256xf32>
      %dot_general3A_358 = arith.constant dense<0.000000e+00> : vector<256x256xf32>
      %dot_general3A_359 = tpu.matmul %sub3A_357, %sub3A_357, %dot_general3A_358 {dimension_numbers = #tpu.dot_dimension_numbers<[1], [0], [0], [1], [0, 0, 1, 1], [], []>, transpose_lhs_hint = false} : vector<256x256xf32>, vector<256x256xf32>, vector<256x256xf32> -> vector<256x256xf32>
      %add3A_360 = arith.addf %convert_element_type3A_36, %sub3A_357 : vector<256x256xf32>
      %slice3A_361 = vector.extract_strided_slice %broadcast_in_dim3A_32 {offsets = [16, 0], sizes = [1, 1], strides = [1, 1]} : vector<32x1xf32> to vector<1x1xf32>
      %squeeze3A_362 = vector.extract %slice3A_361[0, 0] : f32 from vector<1x1xf32>
      %add3A_363 = arith.constant 1.000000e+00 : f32
      %add3A_364 = arith.addf %add3A_363, %squeeze3A_362 : f32
      %add3A_365 = arith.constant 9.99999997E-7 : f32
      %add3A_366 = arith.addf %add3A_364, %add3A_365 : f32
      %div3A_367 = vector.broadcast %add3A_366 : f32 to vector<256x256xf32>
      %div3A_368 = arith.divf %dot_general3A_359, %div3A_367 : vector<256x256xf32>
      %add3A_369 = arith.addf %add3A_360, %div3A_368 : vector<256x256xf32>
      %slice3A_370 = vector.extract_strided_slice %get3A_17 {offsets = [16, 0], sizes = [1, 256], strides = [1, 1]} : vector<32x256xf32> to vector<1x256xf32>
      %dot_general3A_371 = arith.constant dense<0.000000e+00> : vector<1x256xf32>
      %dot_general3A_372 = tpu.matmul %slice3A_370, %add3A_369, %dot_general3A_371 {dimension_numbers = #tpu.dot_dimension_numbers<[1], [0], [0], [1], [0, 0, 1, 1], [], []>, transpose_lhs_hint = false} : vector<1x256xf32>, vector<256x256xf32>, vector<1x256xf32> -> vector<1x256xf32>
      %slice3A_373 = vector.extract_strided_slice %transpose3A {offsets = [0, 17], sizes = [256, 1], strides = [1, 1]} : vector<256x32xf32> to vector<256x1xf32>
      %slice3A_374 = vector.extract_strided_slice %mul3A_29 {offsets = [17, 0], sizes = [1, 256], strides = [1, 1]} : vector<32x256xf32> to vector<1x256xf32>
      %sub3A_375 = vector.broadcast %slice3A_373 : vector<256x1xf32> to vector<256x256xf32>
      %sub3A_376 = vector.broadcast %slice3A_374 : vector<1x256xf32> to vector<256x256xf32>
      %sub3A_377 = arith.subf %sub3A_375, %sub3A_376 : vector<256x256xf32>
      %dot_general3A_378 = arith.constant dense<0.000000e+00> : vector<256x256xf32>
      %dot_general3A_379 = tpu.matmul %sub3A_377, %sub3A_377, %dot_general3A_378 {dimension_numbers = #tpu.dot_dimension_numbers<[1], [0], [0], [1], [0, 0, 1, 1], [], []>, transpose_lhs_hint = false} : vector<256x256xf32>, vector<256x256xf32>, vector<256x256xf32> -> vector<256x256xf32>
      %add3A_380 = arith.addf %convert_element_type3A_36, %sub3A_377 : vector<256x256xf32>
      %slice3A_381 = vector.extract_strided_slice %broadcast_in_dim3A_32 {offsets = [17, 0], sizes = [1, 1], strides = [1, 1]} : vector<32x1xf32> to vector<1x1xf32>
      %squeeze3A_382 = vector.extract %slice3A_381[0, 0] : f32 from vector<1x1xf32>
      %add3A_383 = arith.constant 1.000000e+00 : f32
      %add3A_384 = arith.addf %add3A_383, %squeeze3A_382 : f32
      %add3A_385 = arith.constant 9.99999997E-7 : f32
      %add3A_386 = arith.addf %add3A_384, %add3A_385 : f32
      %div3A_387 = vector.broadcast %add3A_386 : f32 to vector<256x256xf32>
      %div3A_388 = arith.divf %dot_general3A_379, %div3A_387 : vector<256x256xf32>
      %add3A_389 = arith.addf %add3A_380, %div3A_388 : vector<256x256xf32>
      %slice3A_390 = vector.extract_strided_slice %get3A_17 {offsets = [17, 0], sizes = [1, 256], strides = [1, 1]} : vector<32x256xf32> to vector<1x256xf32>
      %dot_general3A_391 = arith.constant dense<0.000000e+00> : vector<1x256xf32>
      %dot_general3A_392 = tpu.matmul %slice3A_390, %add3A_389, %dot_general3A_391 {dimension_numbers = #tpu.dot_dimension_numbers<[1], [0], [0], [1], [0, 0, 1, 1], [], []>, transpose_lhs_hint = false} : vector<1x256xf32>, vector<256x256xf32>, vector<1x256xf32> -> vector<1x256xf32>
      %slice3A_393 = vector.extract_strided_slice %transpose3A {offsets = [0, 18], sizes = [256, 1], strides = [1, 1]} : vector<256x32xf32> to vector<256x1xf32>
      %slice3A_394 = vector.extract_strided_slice %mul3A_29 {offsets = [18, 0], sizes = [1, 256], strides = [1, 1]} : vector<32x256xf32> to vector<1x256xf32>
      %sub3A_395 = vector.broadcast %slice3A_393 : vector<256x1xf32> to vector<256x256xf32>
      %sub3A_396 = vector.broadcast %slice3A_394 : vector<1x256xf32> to vector<256x256xf32>
      %sub3A_397 = arith.subf %sub3A_395, %sub3A_396 : vector<256x256xf32>
      %dot_general3A_398 = arith.constant dense<0.000000e+00> : vector<256x256xf32>
      %dot_general3A_399 = tpu.matmul %sub3A_397, %sub3A_397, %dot_general3A_398 {dimension_numbers = #tpu.dot_dimension_numbers<[1], [0], [0], [1], [0, 0, 1, 1], [], []>, transpose_lhs_hint = false} : vector<256x256xf32>, vector<256x256xf32>, vector<256x256xf32> -> vector<256x256xf32>
      %add3A_400 = arith.addf %convert_element_type3A_36, %sub3A_397 : vector<256x256xf32>
      %slice3A_401 = vector.extract_strided_slice %broadcast_in_dim3A_32 {offsets = [18, 0], sizes = [1, 1], strides = [1, 1]} : vector<32x1xf32> to vector<1x1xf32>
      %squeeze3A_402 = vector.extract %slice3A_401[0, 0] : f32 from vector<1x1xf32>
      %add3A_403 = arith.constant 1.000000e+00 : f32
      %add3A_404 = arith.addf %add3A_403, %squeeze3A_402 : f32
      %add3A_405 = arith.constant 9.99999997E-7 : f32
      %add3A_406 = arith.addf %add3A_404, %add3A_405 : f32
      %div3A_407 = vector.broadcast %add3A_406 : f32 to vector<256x256xf32>
      %div3A_408 = arith.divf %dot_general3A_399, %div3A_407 : vector<256x256xf32>
      %add3A_409 = arith.addf %add3A_400, %div3A_408 : vector<256x256xf32>
      %slice3A_410 = vector.extract_strided_slice %get3A_17 {offsets = [18, 0], sizes = [1, 256], strides = [1, 1]} : vector<32x256xf32> to vector<1x256xf32>
      %dot_general3A_411 = arith.constant dense<0.000000e+00> : vector<1x256xf32>
      %dot_general3A_412 = tpu.matmul %slice3A_410, %add3A_409, %dot_general3A_411 {dimension_numbers = #tpu.dot_dimension_numbers<[1], [0], [0], [1], [0, 0, 1, 1], [], []>, transpose_lhs_hint = false} : vector<1x256xf32>, vector<256x256xf32>, vector<1x256xf32> -> vector<1x256xf32>
      %slice3A_413 = vector.extract_strided_slice %transpose3A {offsets = [0, 19], sizes = [256, 1], strides = [1, 1]} : vector<256x32xf32> to vector<256x1xf32>
      %slice3A_414 = vector.extract_strided_slice %mul3A_29 {offsets = [19, 0], sizes = [1, 256], strides = [1, 1]} : vector<32x256xf32> to vector<1x256xf32>
      %sub3A_415 = vector.broadcast %slice3A_413 : vector<256x1xf32> to vector<256x256xf32>
      %sub3A_416 = vector.broadcast %slice3A_414 : vector<1x256xf32> to vector<256x256xf32>
      %sub3A_417 = arith.subf %sub3A_415, %sub3A_416 : vector<256x256xf32>
      %dot_general3A_418 = arith.constant dense<0.000000e+00> : vector<256x256xf32>
      %dot_general3A_419 = tpu.matmul %sub3A_417, %sub3A_417, %dot_general3A_418 {dimension_numbers = #tpu.dot_dimension_numbers<[1], [0], [0], [1], [0, 0, 1, 1], [], []>, transpose_lhs_hint = false} : vector<256x256xf32>, vector<256x256xf32>, vector<256x256xf32> -> vector<256x256xf32>
      %add3A_420 = arith.addf %convert_element_type3A_36, %sub3A_417 : vector<256x256xf32>
      %slice3A_421 = vector.extract_strided_slice %broadcast_in_dim3A_32 {offsets = [19, 0], sizes = [1, 1], strides = [1, 1]} : vector<32x1xf32> to vector<1x1xf32>
      %squeeze3A_422 = vector.extract %slice3A_421[0, 0] : f32 from vector<1x1xf32>
      %add3A_423 = arith.constant 1.000000e+00 : f32
      %add3A_424 = arith.addf %add3A_423, %squeeze3A_422 : f32
      %add3A_425 = arith.constant 9.99999997E-7 : f32
      %add3A_426 = arith.addf %add3A_424, %add3A_425 : f32
      %div3A_427 = vector.broadcast %add3A_426 : f32 to vector<256x256xf32>
      %div3A_428 = arith.divf %dot_general3A_419, %div3A_427 : vector<256x256xf32>
      %add3A_429 = arith.addf %add3A_420, %div3A_428 : vector<256x256xf32>
      %slice3A_430 = vector.extract_strided_slice %get3A_17 {offsets = [19, 0], sizes = [1, 256], strides = [1, 1]} : vector<32x256xf32> to vector<1x256xf32>
      %dot_general3A_431 = arith.constant dense<0.000000e+00> : vector<1x256xf32>
      %dot_general3A_432 = tpu.matmul %slice3A_430, %add3A_429, %dot_general3A_431 {dimension_numbers = #tpu.dot_dimension_numbers<[1], [0], [0], [1], [0, 0, 1, 1], [], []>, transpose_lhs_hint = false} : vector<1x256xf32>, vector<256x256xf32>, vector<1x256xf32> -> vector<1x256xf32>
      %slice3A_433 = vector.extract_strided_slice %transpose3A {offsets = [0, 20], sizes = [256, 1], strides = [1, 1]} : vector<256x32xf32> to vector<256x1xf32>
      %slice3A_434 = vector.extract_strided_slice %mul3A_29 {offsets = [20, 0], sizes = [1, 256], strides = [1, 1]} : vector<32x256xf32> to vector<1x256xf32>
      %sub3A_435 = vector.broadcast %slice3A_433 : vector<256x1xf32> to vector<256x256xf32>
      %sub3A_436 = vector.broadcast %slice3A_434 : vector<1x256xf32> to vector<256x256xf32>
      %sub3A_437 = arith.subf %sub3A_435, %sub3A_436 : vector<256x256xf32>
      %dot_general3A_438 = arith.constant dense<0.000000e+00> : vector<256x256xf32>
      %dot_general3A_439 = tpu.matmul %sub3A_437, %sub3A_437, %dot_general3A_438 {dimension_numbers = #tpu.dot_dimension_numbers<[1], [0], [0], [1], [0, 0, 1, 1], [], []>, transpose_lhs_hint = false} : vector<256x256xf32>, vector<256x256xf32>, vector<256x256xf32> -> vector<256x256xf32>
      %add3A_440 = arith.addf %convert_element_type3A_36, %sub3A_437 : vector<256x256xf32>
      %slice3A_441 = vector.extract_strided_slice %broadcast_in_dim3A_32 {offsets = [20, 0], sizes = [1, 1], strides = [1, 1]} : vector<32x1xf32> to vector<1x1xf32>
      %squeeze3A_442 = vector.extract %slice3A_441[0, 0] : f32 from vector<1x1xf32>
      %add3A_443 = arith.constant 1.000000e+00 : f32
      %add3A_444 = arith.addf %add3A_443, %squeeze3A_442 : f32
      %add3A_445 = arith.constant 9.99999997E-7 : f32
      %add3A_446 = arith.addf %add3A_444, %add3A_445 : f32
      %div3A_447 = vector.broadcast %add3A_446 : f32 to vector<256x256xf32>
      %div3A_448 = arith.divf %dot_general3A_439, %div3A_447 : vector<256x256xf32>
      %add3A_449 = arith.addf %add3A_440, %div3A_448 : vector<256x256xf32>
      %slice3A_450 = vector.extract_strided_slice %get3A_17 {offsets = [20, 0], sizes = [1, 256], strides = [1, 1]} : vector<32x256xf32> to vector<1x256xf32>
      %dot_general3A_451 = arith.constant dense<0.000000e+00> : vector<1x256xf32>
      %dot_general3A_452 = tpu.matmul %slice3A_450, %add3A_449, %dot_general3A_451 {dimension_numbers = #tpu.dot_dimension_numbers<[1], [0], [0], [1], [0, 0, 1, 1], [], []>, transpose_lhs_hint = false} : vector<1x256xf32>, vector<256x256xf32>, vector<1x256xf32> -> vector<1x256xf32>
      %slice3A_453 = vector.extract_strided_slice %transpose3A {offsets = [0, 21], sizes = [256, 1], strides = [1, 1]} : vector<256x32xf32> to vector<256x1xf32>
      %slice3A_454 = vector.extract_strided_slice %mul3A_29 {offsets = [21, 0], sizes = [1, 256], strides = [1, 1]} : vector<32x256xf32> to vector<1x256xf32>
      %sub3A_455 = vector.broadcast %slice3A_453 : vector<256x1xf32> to vector<256x256xf32>
      %sub3A_456 = vector.broadcast %slice3A_454 : vector<1x256xf32> to vector<256x256xf32>
      %sub3A_457 = arith.subf %sub3A_455, %sub3A_456 : vector<256x256xf32>
      %dot_general3A_458 = arith.constant dense<0.000000e+00> : vector<256x256xf32>
      %dot_general3A_459 = tpu.matmul %sub3A_457, %sub3A_457, %dot_general3A_458 {dimension_numbers = #tpu.dot_dimension_numbers<[1], [0], [0], [1], [0, 0, 1, 1], [], []>, transpose_lhs_hint = false} : vector<256x256xf32>, vector<256x256xf32>, vector<256x256xf32> -> vector<256x256xf32>
      %add3A_460 = arith.addf %convert_element_type3A_36, %sub3A_457 : vector<256x256xf32>
      %slice3A_461 = vector.extract_strided_slice %broadcast_in_dim3A_32 {offsets = [21, 0], sizes = [1, 1], strides = [1, 1]} : vector<32x1xf32> to vector<1x1xf32>
      %squeeze3A_462 = vector.extract %slice3A_461[0, 0] : f32 from vector<1x1xf32>
      %add3A_463 = arith.constant 1.000000e+00 : f32
      %add3A_464 = arith.addf %add3A_463, %squeeze3A_462 : f32
      %add3A_465 = arith.constant 9.99999997E-7 : f32
      %add3A_466 = arith.addf %add3A_464, %add3A_465 : f32
      %div3A_467 = vector.broadcast %add3A_466 : f32 to vector<256x256xf32>
      %div3A_468 = arith.divf %dot_general3A_459, %div3A_467 : vector<256x256xf32>
      %add3A_469 = arith.addf %add3A_460, %div3A_468 : vector<256x256xf32>
      %slice3A_470 = vector.extract_strided_slice %get3A_17 {offsets = [21, 0], sizes = [1, 256], strides = [1, 1]} : vector<32x256xf32> to vector<1x256xf32>
      %dot_general3A_471 = arith.constant dense<0.000000e+00> : vector<1x256xf32>
      %dot_general3A_472 = tpu.matmul %slice3A_470, %add3A_469, %dot_general3A_471 {dimension_numbers = #tpu.dot_dimension_numbers<[1], [0], [0], [1], [0, 0, 1, 1], [], []>, transpose_lhs_hint = false} : vector<1x256xf32>, vector<256x256xf32>, vector<1x256xf32> -> vector<1x256xf32>
      %slice3A_473 = vector.extract_strided_slice %transpose3A {offsets = [0, 22], sizes = [256, 1], strides = [1, 1]} : vector<256x32xf32> to vector<256x1xf32>
      %slice3A_474 = vector.extract_strided_slice %mul3A_29 {offsets = [22, 0], sizes = [1, 256], strides = [1, 1]} : vector<32x256xf32> to vector<1x256xf32>
      %sub3A_475 = vector.broadcast %slice3A_473 : vector<256x1xf32> to vector<256x256xf32>
      %sub3A_476 = vector.broadcast %slice3A_474 : vector<1x256xf32> to vector<256x256xf32>
      %sub3A_477 = arith.subf %sub3A_475, %sub3A_476 : vector<256x256xf32>
      %dot_general3A_478 = arith.constant dense<0.000000e+00> : vector<256x256xf32>
      %dot_general3A_479 = tpu.matmul %sub3A_477, %sub3A_477, %dot_general3A_478 {dimension_numbers = #tpu.dot_dimension_numbers<[1], [0], [0], [1], [0, 0, 1, 1], [], []>, transpose_lhs_hint = false} : vector<256x256xf32>, vector<256x256xf32>, vector<256x256xf32> -> vector<256x256xf32>
      %add3A_480 = arith.addf %convert_element_type3A_36, %sub3A_477 : vector<256x256xf32>
      %slice3A_481 = vector.extract_strided_slice %broadcast_in_dim3A_32 {offsets = [22, 0], sizes = [1, 1], strides = [1, 1]} : vector<32x1xf32> to vector<1x1xf32>
      %squeeze3A_482 = vector.extract %slice3A_481[0, 0] : f32 from vector<1x1xf32>
      %add3A_483 = arith.constant 1.000000e+00 : f32
      %add3A_484 = arith.addf %add3A_483, %squeeze3A_482 : f32
      %add3A_485 = arith.constant 9.99999997E-7 : f32
      %add3A_486 = arith.addf %add3A_484, %add3A_485 : f32
      %div3A_487 = vector.broadcast %add3A_486 : f32 to vector<256x256xf32>
      %div3A_488 = arith.divf %dot_general3A_479, %div3A_487 : vector<256x256xf32>
      %add3A_489 = arith.addf %add3A_480, %div3A_488 : vector<256x256xf32>
      %slice3A_490 = vector.extract_strided_slice %get3A_17 {offsets = [22, 0], sizes = [1, 256], strides = [1, 1]} : vector<32x256xf32> to vector<1x256xf32>
      %dot_general3A_491 = arith.constant dense<0.000000e+00> : vector<1x256xf32>
      %dot_general3A_492 = tpu.matmul %slice3A_490, %add3A_489, %dot_general3A_491 {dimension_numbers = #tpu.dot_dimension_numbers<[1], [0], [0], [1], [0, 0, 1, 1], [], []>, transpose_lhs_hint = false} : vector<1x256xf32>, vector<256x256xf32>, vector<1x256xf32> -> vector<1x256xf32>
      %slice3A_493 = vector.extract_strided_slice %transpose3A {offsets = [0, 23], sizes = [256, 1], strides = [1, 1]} : vector<256x32xf32> to vector<256x1xf32>
      %slice3A_494 = vector.extract_strided_slice %mul3A_29 {offsets = [23, 0], sizes = [1, 256], strides = [1, 1]} : vector<32x256xf32> to vector<1x256xf32>
      %sub3A_495 = vector.broadcast %slice3A_493 : vector<256x1xf32> to vector<256x256xf32>
      %sub3A_496 = vector.broadcast %slice3A_494 : vector<1x256xf32> to vector<256x256xf32>
      %sub3A_497 = arith.subf %sub3A_495, %sub3A_496 : vector<256x256xf32>
      %dot_general3A_498 = arith.constant dense<0.000000e+00> : vector<256x256xf32>
      %dot_general3A_499 = tpu.matmul %sub3A_497, %sub3A_497, %dot_general3A_498 {dimension_numbers = #tpu.dot_dimension_numbers<[1], [0], [0], [1], [0, 0, 1, 1], [], []>, transpose_lhs_hint = false} : vector<256x256xf32>, vector<256x256xf32>, vector<256x256xf32> -> vector<256x256xf32>
      %add3A_500 = arith.addf %convert_element_type3A_36, %sub3A_497 : vector<256x256xf32>
      %slice3A_501 = vector.extract_strided_slice %broadcast_in_dim3A_32 {offsets = [23, 0], sizes = [1, 1], strides = [1, 1]} : vector<32x1xf32> to vector<1x1xf32>
      %squeeze3A_502 = vector.extract %slice3A_501[0, 0] : f32 from vector<1x1xf32>
      %add3A_503 = arith.constant 1.000000e+00 : f32
      %add3A_504 = arith.addf %add3A_503, %squeeze3A_502 : f32
      %add3A_505 = arith.constant 9.99999997E-7 : f32
      %add3A_506 = arith.addf %add3A_504, %add3A_505 : f32
      %div3A_507 = vector.broadcast %add3A_506 : f32 to vector<256x256xf32>
      %div3A_508 = arith.divf %dot_general3A_499, %div3A_507 : vector<256x256xf32>
      %add3A_509 = arith.addf %add3A_500, %div3A_508 : vector<256x256xf32>
      %slice3A_510 = vector.extract_strided_slice %get3A_17 {offsets = [23, 0], sizes = [1, 256], strides = [1, 1]} : vector<32x256xf32> to vector<1x256xf32>
      %dot_general3A_511 = arith.constant dense<0.000000e+00> : vector<1x256xf32>
      %dot_general3A_512 = tpu.matmul %slice3A_510, %add3A_509, %dot_general3A_511 {dimension_numbers = #tpu.dot_dimension_numbers<[1], [0], [0], [1], [0, 0, 1, 1], [], []>, transpose_lhs_hint = false} : vector<1x256xf32>, vector<256x256xf32>, vector<1x256xf32> -> vector<1x256xf32>
      %slice3A_513 = vector.extract_strided_slice %transpose3A {offsets = [0, 24], sizes = [256, 1], strides = [1, 1]} : vector<256x32xf32> to vector<256x1xf32>
      %slice3A_514 = vector.extract_strided_slice %mul3A_29 {offsets = [24, 0], sizes = [1, 256], strides = [1, 1]} : vector<32x256xf32> to vector<1x256xf32>
      %sub3A_515 = vector.broadcast %slice3A_513 : vector<256x1xf32> to vector<256x256xf32>
      %sub3A_516 = vector.broadcast %slice3A_514 : vector<1x256xf32> to vector<256x256xf32>
      %sub3A_517 = arith.subf %sub3A_515, %sub3A_516 : vector<256x256xf32>
      %dot_general3A_518 = arith.constant dense<0.000000e+00> : vector<256x256xf32>
      %dot_general3A_519 = tpu.matmul %sub3A_517, %sub3A_517, %dot_general3A_518 {dimension_numbers = #tpu.dot_dimension_numbers<[1], [0], [0], [1], [0, 0, 1, 1], [], []>, transpose_lhs_hint = false} : vector<256x256xf32>, vector<256x256xf32>, vector<256x256xf32> -> vector<256x256xf32>
      %add3A_520 = arith.addf %convert_element_type3A_36, %sub3A_517 : vector<256x256xf32>
      %slice3A_521 = vector.extract_strided_slice %broadcast_in_dim3A_32 {offsets = [24, 0], sizes = [1, 1], strides = [1, 1]} : vector<32x1xf32> to vector<1x1xf32>
      %squeeze3A_522 = vector.extract %slice3A_521[0, 0] : f32 from vector<1x1xf32>
      %add3A_523 = arith.constant 1.000000e+00 : f32
      %add3A_524 = arith.addf %add3A_523, %squeeze3A_522 : f32
      %add3A_525 = arith.constant 9.99999997E-7 : f32
      %add3A_526 = arith.addf %add3A_524, %add3A_525 : f32
      %div3A_527 = vector.broadcast %add3A_526 : f32 to vector<256x256xf32>
      %div3A_528 = arith.divf %dot_general3A_519, %div3A_527 : vector<256x256xf32>
      %add3A_529 = arith.addf %add3A_520, %div3A_528 : vector<256x256xf32>
      %slice3A_530 = vector.extract_strided_slice %get3A_17 {offsets = [24, 0], sizes = [1, 256], strides = [1, 1]} : vector<32x256xf32> to vector<1x256xf32>
      %dot_general3A_531 = arith.constant dense<0.000000e+00> : vector<1x256xf32>
      %dot_general3A_532 = tpu.matmul %slice3A_530, %add3A_529, %dot_general3A_531 {dimension_numbers = #tpu.dot_dimension_numbers<[1], [0], [0], [1], [0, 0, 1, 1], [], []>, transpose_lhs_hint = false} : vector<1x256xf32>, vector<256x256xf32>, vector<1x256xf32> -> vector<1x256xf32>
      %slice3A_533 = vector.extract_strided_slice %transpose3A {offsets = [0, 25], sizes = [256, 1], strides = [1, 1]} : vector<256x32xf32> to vector<256x1xf32>
      %slice3A_534 = vector.extract_strided_slice %mul3A_29 {offsets = [25, 0], sizes = [1, 256], strides = [1, 1]} : vector<32x256xf32> to vector<1x256xf32>
      %sub3A_535 = vector.broadcast %slice3A_533 : vector<256x1xf32> to vector<256x256xf32>
      %sub3A_536 = vector.broadcast %slice3A_534 : vector<1x256xf32> to vector<256x256xf32>
      %sub3A_537 = arith.subf %sub3A_535, %sub3A_536 : vector<256x256xf32>
      %dot_general3A_538 = arith.constant dense<0.000000e+00> : vector<256x256xf32>
      %dot_general3A_539 = tpu.matmul %sub3A_537, %sub3A_537, %dot_general3A_538 {dimension_numbers = #tpu.dot_dimension_numbers<[1], [0], [0], [1], [0, 0, 1, 1], [], []>, transpose_lhs_hint = false} : vector<256x256xf32>, vector<256x256xf32>, vector<256x256xf32> -> vector<256x256xf32>
      %add3A_540 = arith.addf %convert_element_type3A_36, %sub3A_537 : vector<256x256xf32>
      %slice3A_541 = vector.extract_strided_slice %broadcast_in_dim3A_32 {offsets = [25, 0], sizes = [1, 1], strides = [1, 1]} : vector<32x1xf32> to vector<1x1xf32>
      %squeeze3A_542 = vector.extract %slice3A_541[0, 0] : f32 from vector<1x1xf32>
      %add3A_543 = arith.constant 1.000000e+00 : f32
      %add3A_544 = arith.addf %add3A_543, %squeeze3A_542 : f32
      %add3A_545 = arith.constant 9.99999997E-7 : f32
      %add3A_546 = arith.addf %add3A_544, %add3A_545 : f32
      %div3A_547 = vector.broadcast %add3A_546 : f32 to vector<256x256xf32>
      %div3A_548 = arith.divf %dot_general3A_539, %div3A_547 : vector<256x256xf32>
      %add3A_549 = arith.addf %add3A_540, %div3A_548 : vector<256x256xf32>
      %slice3A_550 = vector.extract_strided_slice %get3A_17 {offsets = [25, 0], sizes = [1, 256], strides = [1, 1]} : vector<32x256xf32> to vector<1x256xf32>
      %dot_general3A_551 = arith.constant dense<0.000000e+00> : vector<1x256xf32>
      %dot_general3A_552 = tpu.matmul %slice3A_550, %add3A_549, %dot_general3A_551 {dimension_numbers = #tpu.dot_dimension_numbers<[1], [0], [0], [1], [0, 0, 1, 1], [], []>, transpose_lhs_hint = false} : vector<1x256xf32>, vector<256x256xf32>, vector<1x256xf32> -> vector<1x256xf32>
      %slice3A_553 = vector.extract_strided_slice %transpose3A {offsets = [0, 26], sizes = [256, 1], strides = [1, 1]} : vector<256x32xf32> to vector<256x1xf32>
      %slice3A_554 = vector.extract_strided_slice %mul3A_29 {offsets = [26, 0], sizes = [1, 256], strides = [1, 1]} : vector<32x256xf32> to vector<1x256xf32>
      %sub3A_555 = vector.broadcast %slice3A_553 : vector<256x1xf32> to vector<256x256xf32>
      %sub3A_556 = vector.broadcast %slice3A_554 : vector<1x256xf32> to vector<256x256xf32>
      %sub3A_557 = arith.subf %sub3A_555, %sub3A_556 : vector<256x256xf32>
      %dot_general3A_558 = arith.constant dense<0.000000e+00> : vector<256x256xf32>
      %dot_general3A_559 = tpu.matmul %sub3A_557, %sub3A_557, %dot_general3A_558 {dimension_numbers = #tpu.dot_dimension_numbers<[1], [0], [0], [1], [0, 0, 1, 1], [], []>, transpose_lhs_hint = false} : vector<256x256xf32>, vector<256x256xf32>, vector<256x256xf32> -> vector<256x256xf32>
      %add3A_560 = arith.addf %convert_element_type3A_36, %sub3A_557 : vector<256x256xf32>
      %slice3A_561 = vector.extract_strided_slice %broadcast_in_dim3A_32 {offsets = [26, 0], sizes = [1, 1], strides = [1, 1]} : vector<32x1xf32> to vector<1x1xf32>
      %squeeze3A_562 = vector.extract %slice3A_561[0, 0] : f32 from vector<1x1xf32>
      %add3A_563 = arith.constant 1.000000e+00 : f32
      %add3A_564 = arith.addf %add3A_563, %squeeze3A_562 : f32
      %add3A_565 = arith.constant 9.99999997E-7 : f32
      %add3A_566 = arith.addf %add3A_564, %add3A_565 : f32
      %div3A_567 = vector.broadcast %add3A_566 : f32 to vector<256x256xf32>
      %div3A_568 = arith.divf %dot_general3A_559, %div3A_567 : vector<256x256xf32>
      %add3A_569 = arith.addf %add3A_560, %div3A_568 : vector<256x256xf32>
      %slice3A_570 = vector.extract_strided_slice %get3A_17 {offsets = [26, 0], sizes = [1, 256], strides = [1, 1]} : vector<32x256xf32> to vector<1x256xf32>
      %dot_general3A_571 = arith.constant dense<0.000000e+00> : vector<1x256xf32>
      %dot_general3A_572 = tpu.matmul %slice3A_570, %add3A_569, %dot_general3A_571 {dimension_numbers = #tpu.dot_dimension_numbers<[1], [0], [0], [1], [0, 0, 1, 1], [], []>, transpose_lhs_hint = false} : vector<1x256xf32>, vector<256x256xf32>, vector<1x256xf32> -> vector<1x256xf32>
      %slice3A_573 = vector.extract_strided_slice %transpose3A {offsets = [0, 27], sizes = [256, 1], strides = [1, 1]} : vector<256x32xf32> to vector<256x1xf32>
      %slice3A_574 = vector.extract_strided_slice %mul3A_29 {offsets = [27, 0], sizes = [1, 256], strides = [1, 1]} : vector<32x256xf32> to vector<1x256xf32>
      %sub3A_575 = vector.broadcast %slice3A_573 : vector<256x1xf32> to vector<256x256xf32>
      %sub3A_576 = vector.broadcast %slice3A_574 : vector<1x256xf32> to vector<256x256xf32>
      %sub3A_577 = arith.subf %sub3A_575, %sub3A_576 : vector<256x256xf32>
      %dot_general3A_578 = arith.constant dense<0.000000e+00> : vector<256x256xf32>
      %dot_general3A_579 = tpu.matmul %sub3A_577, %sub3A_577, %dot_general3A_578 {dimension_numbers = #tpu.dot_dimension_numbers<[1], [0], [0], [1], [0, 0, 1, 1], [], []>, transpose_lhs_hint = false} : vector<256x256xf32>, vector<256x256xf32>, vector<256x256xf32> -> vector<256x256xf32>
      %add3A_580 = arith.addf %convert_element_type3A_36, %sub3A_577 : vector<256x256xf32>
      %slice3A_581 = vector.extract_strided_slice %broadcast_in_dim3A_32 {offsets = [27, 0], sizes = [1, 1], strides = [1, 1]} : vector<32x1xf32> to vector<1x1xf32>
      %squeeze3A_582 = vector.extract %slice3A_581[0, 0] : f32 from vector<1x1xf32>
      %add3A_583 = arith.constant 1.000000e+00 : f32
      %add3A_584 = arith.addf %add3A_583, %squeeze3A_582 : f32
      %add3A_585 = arith.constant 9.99999997E-7 : f32
      %add3A_586 = arith.addf %add3A_584, %add3A_585 : f32
      %div3A_587 = vector.broadcast %add3A_586 : f32 to vector<256x256xf32>
      %div3A_588 = arith.divf %dot_general3A_579, %div3A_587 : vector<256x256xf32>
      %add3A_589 = arith.addf %add3A_580, %div3A_588 : vector<256x256xf32>
      %slice3A_590 = vector.extract_strided_slice %get3A_17 {offsets = [27, 0], sizes = [1, 256], strides = [1, 1]} : vector<32x256xf32> to vector<1x256xf32>
      %dot_general3A_591 = arith.constant dense<0.000000e+00> : vector<1x256xf32>
      %dot_general3A_592 = tpu.matmul %slice3A_590, %add3A_589, %dot_general3A_591 {dimension_numbers = #tpu.dot_dimension_numbers<[1], [0], [0], [1], [0, 0, 1, 1], [], []>, transpose_lhs_hint = false} : vector<1x256xf32>, vector<256x256xf32>, vector<1x256xf32> -> vector<1x256xf32>
      %slice3A_593 = vector.extract_strided_slice %transpose3A {offsets = [0, 28], sizes = [256, 1], strides = [1, 1]} : vector<256x32xf32> to vector<256x1xf32>
      %slice3A_594 = vector.extract_strided_slice %mul3A_29 {offsets = [28, 0], sizes = [1, 256], strides = [1, 1]} : vector<32x256xf32> to vector<1x256xf32>
      %sub3A_595 = vector.broadcast %slice3A_593 : vector<256x1xf32> to vector<256x256xf32>
      %sub3A_596 = vector.broadcast %slice3A_594 : vector<1x256xf32> to vector<256x256xf32>
      %sub3A_597 = arith.subf %sub3A_595, %sub3A_596 : vector<256x256xf32>
      %dot_general3A_598 = arith.constant dense<0.000000e+00> : vector<256x256xf32>
      %dot_general3A_599 = tpu.matmul %sub3A_597, %sub3A_597, %dot_general3A_598 {dimension_numbers = #tpu.dot_dimension_numbers<[1], [0], [0], [1], [0, 0, 1, 1], [], []>, transpose_lhs_hint = false} : vector<256x256xf32>, vector<256x256xf32>, vector<256x256xf32> -> vector<256x256xf32>
      %add3A_600 = arith.addf %convert_element_type3A_36, %sub3A_597 : vector<256x256xf32>
      %slice3A_601 = vector.extract_strided_slice %broadcast_in_dim3A_32 {offsets = [28, 0], sizes = [1, 1], strides = [1, 1]} : vector<32x1xf32> to vector<1x1xf32>
      %squeeze3A_602 = vector.extract %slice3A_601[0, 0] : f32 from vector<1x1xf32>
      %add3A_603 = arith.constant 1.000000e+00 : f32
      %add3A_604 = arith.addf %add3A_603, %squeeze3A_602 : f32
      %add3A_605 = arith.constant 9.99999997E-7 : f32
      %add3A_606 = arith.addf %add3A_604, %add3A_605 : f32
      %div3A_607 = vector.broadcast %add3A_606 : f32 to vector<256x256xf32>
      %div3A_608 = arith.divf %dot_general3A_599, %div3A_607 : vector<256x256xf32>
      %add3A_609 = arith.addf %add3A_600, %div3A_608 : vector<256x256xf32>
      %slice3A_610 = vector.extract_strided_slice %get3A_17 {offsets = [28, 0], sizes = [1, 256], strides = [1, 1]} : vector<32x256xf32> to vector<1x256xf32>
      %dot_general3A_611 = arith.constant dense<0.000000e+00> : vector<1x256xf32>
      %dot_general3A_612 = tpu.matmul %slice3A_610, %add3A_609, %dot_general3A_611 {dimension_numbers = #tpu.dot_dimension_numbers<[1], [0], [0], [1], [0, 0, 1, 1], [], []>, transpose_lhs_hint = false} : vector<1x256xf32>, vector<256x256xf32>, vector<1x256xf32> -> vector<1x256xf32>
      %slice3A_613 = vector.extract_strided_slice %transpose3A {offsets = [0, 29], sizes = [256, 1], strides = [1, 1]} : vector<256x32xf32> to vector<256x1xf32>
      %slice3A_614 = vector.extract_strided_slice %mul3A_29 {offsets = [29, 0], sizes = [1, 256], strides = [1, 1]} : vector<32x256xf32> to vector<1x256xf32>
      %sub3A_615 = vector.broadcast %slice3A_613 : vector<256x1xf32> to vector<256x256xf32>
      %sub3A_616 = vector.broadcast %slice3A_614 : vector<1x256xf32> to vector<256x256xf32>
      %sub3A_617 = arith.subf %sub3A_615, %sub3A_616 : vector<256x256xf32>
      %dot_general3A_618 = arith.constant dense<0.000000e+00> : vector<256x256xf32>
      %dot_general3A_619 = tpu.matmul %sub3A_617, %sub3A_617, %dot_general3A_618 {dimension_numbers = #tpu.dot_dimension_numbers<[1], [0], [0], [1], [0, 0, 1, 1], [], []>, transpose_lhs_hint = false} : vector<256x256xf32>, vector<256x256xf32>, vector<256x256xf32> -> vector<256x256xf32>
      %add3A_620 = arith.addf %convert_element_type3A_36, %sub3A_617 : vector<256x256xf32>
      %slice3A_621 = vector.extract_strided_slice %broadcast_in_dim3A_32 {offsets = [29, 0], sizes = [1, 1], strides = [1, 1]} : vector<32x1xf32> to vector<1x1xf32>
      %squeeze3A_622 = vector.extract %slice3A_621[0, 0] : f32 from vector<1x1xf32>
      %add3A_623 = arith.constant 1.000000e+00 : f32
      %add3A_624 = arith.addf %add3A_623, %squeeze3A_622 : f32
      %add3A_625 = arith.constant 9.99999997E-7 : f32
      %add3A_626 = arith.addf %add3A_624, %add3A_625 : f32
      %div3A_627 = vector.broadcast %add3A_626 : f32 to vector<256x256xf32>
      %div3A_628 = arith.divf %dot_general3A_619, %div3A_627 : vector<256x256xf32>
      %add3A_629 = arith.addf %add3A_620, %div3A_628 : vector<256x256xf32>
      %slice3A_630 = vector.extract_strided_slice %get3A_17 {offsets = [29, 0], sizes = [1, 256], strides = [1, 1]} : vector<32x256xf32> to vector<1x256xf32>
      %dot_general3A_631 = arith.constant dense<0.000000e+00> : vector<1x256xf32>
      %dot_general3A_632 = tpu.matmul %slice3A_630, %add3A_629, %dot_general3A_631 {dimension_numbers = #tpu.dot_dimension_numbers<[1], [0], [0], [1], [0, 0, 1, 1], [], []>, transpose_lhs_hint = false} : vector<1x256xf32>, vector<256x256xf32>, vector<1x256xf32> -> vector<1x256xf32>
      %slice3A_633 = vector.extract_strided_slice %transpose3A {offsets = [0, 30], sizes = [256, 1], strides = [1, 1]} : vector<256x32xf32> to vector<256x1xf32>
      %slice3A_634 = vector.extract_strided_slice %mul3A_29 {offsets = [30, 0], sizes = [1, 256], strides = [1, 1]} : vector<32x256xf32> to vector<1x256xf32>
      %sub3A_635 = vector.broadcast %slice3A_633 : vector<256x1xf32> to vector<256x256xf32>
      %sub3A_636 = vector.broadcast %slice3A_634 : vector<1x256xf32> to vector<256x256xf32>
      %sub3A_637 = arith.subf %sub3A_635, %sub3A_636 : vector<256x256xf32>
      %dot_general3A_638 = arith.constant dense<0.000000e+00> : vector<256x256xf32>
      %dot_general3A_639 = tpu.matmul %sub3A_637, %sub3A_637, %dot_general3A_638 {dimension_numbers = #tpu.dot_dimension_numbers<[1], [0], [0], [1], [0, 0, 1, 1], [], []>, transpose_lhs_hint = false} : vector<256x256xf32>, vector<256x256xf32>, vector<256x256xf32> -> vector<256x256xf32>
      %add3A_640 = arith.addf %convert_element_type3A_36, %sub3A_637 : vector<256x256xf32>
      %slice3A_641 = vector.extract_strided_slice %broadcast_in_dim3A_32 {offsets = [30, 0], sizes = [1, 1], strides = [1, 1]} : vector<32x1xf32> to vector<1x1xf32>
      %squeeze3A_642 = vector.extract %slice3A_641[0, 0] : f32 from vector<1x1xf32>
      %add3A_643 = arith.constant 1.000000e+00 : f32
      %add3A_644 = arith.addf %add3A_643, %squeeze3A_642 : f32
      %add3A_645 = arith.constant 9.99999997E-7 : f32
      %add3A_646 = arith.addf %add3A_644, %add3A_645 : f32
      %div3A_647 = vector.broadcast %add3A_646 : f32 to vector<256x256xf32>
      %div3A_648 = arith.divf %dot_general3A_639, %div3A_647 : vector<256x256xf32>
      %add3A_649 = arith.addf %add3A_640, %div3A_648 : vector<256x256xf32>
      %slice3A_650 = vector.extract_strided_slice %get3A_17 {offsets = [30, 0], sizes = [1, 256], strides = [1, 1]} : vector<32x256xf32> to vector<1x256xf32>
      %dot_general3A_651 = arith.constant dense<0.000000e+00> : vector<1x256xf32>
      %dot_general3A_652 = tpu.matmul %slice3A_650, %add3A_649, %dot_general3A_651 {dimension_numbers = #tpu.dot_dimension_numbers<[1], [0], [0], [1], [0, 0, 1, 1], [], []>, transpose_lhs_hint = false} : vector<1x256xf32>, vector<256x256xf32>, vector<1x256xf32> -> vector<1x256xf32>
      %slice3A_653 = vector.extract_strided_slice %transpose3A {offsets = [0, 31], sizes = [256, 1], strides = [1, 1]} : vector<256x32xf32> to vector<256x1xf32>
      %slice3A_654 = vector.extract_strided_slice %mul3A_29 {offsets = [31, 0], sizes = [1, 256], strides = [1, 1]} : vector<32x256xf32> to vector<1x256xf32>
      %sub3A_655 = vector.broadcast %slice3A_653 : vector<256x1xf32> to vector<256x256xf32>
      %sub3A_656 = vector.broadcast %slice3A_654 : vector<1x256xf32> to vector<256x256xf32>
      %sub3A_657 = arith.subf %sub3A_655, %sub3A_656 : vector<256x256xf32>
      %dot_general3A_658 = arith.constant dense<0.000000e+00> : vector<256x256xf32>
      %dot_general3A_659 = tpu.matmul %sub3A_657, %sub3A_657, %dot_general3A_658 {dimension_numbers = #tpu.dot_dimension_numbers<[1], [0], [0], [1], [0, 0, 1, 1], [], []>, transpose_lhs_hint = false} : vector<256x256xf32>, vector<256x256xf32>, vector<256x256xf32> -> vector<256x256xf32>
      %add3A_660 = arith.addf %convert_element_type3A_36, %sub3A_657 : vector<256x256xf32>
      %slice3A_661 = vector.extract_strided_slice %broadcast_in_dim3A_32 {offsets = [31, 0], sizes = [1, 1], strides = [1, 1]} : vector<32x1xf32> to vector<1x1xf32>
      %squeeze3A_662 = vector.extract %slice3A_661[0, 0] : f32 from vector<1x1xf32>
      %add3A_663 = arith.constant 1.000000e+00 : f32
      %add3A_664 = arith.addf %add3A_663, %squeeze3A_662 : f32
      %add3A_665 = arith.constant 9.99999997E-7 : f32
      %add3A_666 = arith.addf %add3A_664, %add3A_665 : f32
      %div3A_667 = vector.broadcast %add3A_666 : f32 to vector<256x256xf32>
      %div3A_668 = arith.divf %dot_general3A_659, %div3A_667 : vector<256x256xf32>
      %add3A_669 = arith.addf %add3A_660, %div3A_668 : vector<256x256xf32>
      %slice3A_670 = vector.extract_strided_slice %get3A_17 {offsets = [31, 0], sizes = [1, 256], strides = [1, 1]} : vector<32x256xf32> to vector<1x256xf32>
      %dot_general3A_671 = arith.constant dense<0.000000e+00> : vector<1x256xf32>
      %dot_general3A_672 = tpu.matmul %slice3A_670, %add3A_669, %dot_general3A_671 {dimension_numbers = #tpu.dot_dimension_numbers<[1], [0], [0], [1], [0, 0, 1, 1], [], []>, transpose_lhs_hint = false} : vector<1x256xf32>, vector<256x256xf32>, vector<1x256xf32> -> vector<1x256xf32>
      %concatenate3A = tpu.concatenate %dot_general3A_52, %dot_general3A_72, %dot_general3A_92, %dot_general3A_112, %dot_general3A_132, %dot_general3A_152, %dot_general3A_172, %dot_general3A_192, %dot_general3A_212, %dot_general3A_232, %dot_general3A_252, %dot_general3A_272, %dot_general3A_292, %dot_general3A_312, %dot_general3A_332, %dot_general3A_352, %dot_general3A_372, %dot_general3A_392, %dot_general3A_412, %dot_general3A_432, %dot_general3A_452, %dot_general3A_472, %dot_general3A_492, %dot_general3A_512, %dot_general3A_532, %dot_general3A_552, %dot_general3A_572, %dot_general3A_592, %dot_general3A_612, %dot_general3A_632, %dot_general3A_652, %dot_general3A_672 in 0 : vector<1x256xf32>, vector<1x256xf32>, vector<1x256xf32>, vector<1x256xf32>, vector<1x256xf32>, vector<1x256xf32>, vector<1x256xf32>, vector<1x256xf32>, vector<1x256xf32>, vector<1x256xf32>, vector<1x256xf32>, vector<1x256xf32>, vector<1x256xf32>, vector<1x256xf32>, vector<1x256xf32>, vector<1x256xf32>, vector<1x256xf32>, vector<1x256xf32>, vector<1x256xf32>, vector<1x256xf32>, vector<1x256xf32>, vector<1x256xf32>, vector<1x256xf32>, vector<1x256xf32>, vector<1x256xf32>, vector<1x256xf32>, vector<1x256xf32>, vector<1x256xf32>, vector<1x256xf32>, vector<1x256xf32>, vector<1x256xf32>, vector<1x256xf32> -> vector<32x256xf32>
      %swap3A = arith.index_cast %mul3A_13 : i32 to index
      %swap3A_673 = arith.constant 0 : index
      %swap3A_674 = vector.load %arg9[%swap3A, %swap3A_673] : memref<96x256xf32, #tpu.memory_space<vmem>>, vector<32x256xf32>
      tpu.vector_store %arg9[%swap3A, %swap3A_673], %concatenate3A {strides = array<i32>} : memref<96x256xf32, #tpu.memory_space<vmem>>, vector<32x256xf32>,
    } else {
    }
    %eq3A_7 = arith.constant 4 : i32
    %eq3A_8 = arith.cmpi eq, %arg0, %eq3A_7 : i32
    %convert_element_type3A_9 = arith.extui %eq3A_8 : i1 to i32
    %cond3A_10 = arith.constant 0 : i32
    %cond3A_11 = arith.cmpi ne, %convert_element_type3A_9, %cond3A_10 : i32
    scf.if %cond3A_11 {
      %get3A = arith.constant 0 : index
      %get3A_12 = arith.constant 0 : index
      %get3A_13 = vector.load %arg3[%get3A, %get3A_12] : memref<256x1024xf32, #tpu.memory_space<vmem>>, vector<256x1024xf32>
      %get3A_14 = arith.constant 0 : index
      %get3A_15 = arith.constant 0 : index
      %get3A_16 = vector.load %arg6[%get3A_14, %get3A_15] : memref<512x1xi32, #tpu.memory_space<vmem>>, vector<512x1xi32>
      %get3A_17 = arith.constant 0 : index
      %get3A_18 = arith.constant 0 : index
      %get3A_19 = vector.load %arg9[%get3A_17, %get3A_18] : memref<96x256xf32, #tpu.memory_space<vmem>>, vector<96x256xf32>
      %mul3A = arith.mulf %get3A_13, %get3A_13 : vector<256x1024xf32>
      %reduce_sum3A = arith.constant dense<0.000000e+00> : vector<1024xf32>
      %reduce_sum3A_20 = vector.multi_reduction <add>, %mul3A, %reduce_sum3A [0] : vector<256x1024xf32> to vector<1024xf32>
      %broadcast_in_dim3A = vector.shape_cast %reduce_sum3A_20 : vector<1024xf32> to vector<1x1024xf32>
      %dot_general3A = arith.constant dense<0.000000e+00> : vector<96x1024xf32>
      %dot_general3A_21 = tpu.matmul %get3A_19, %get3A_13, %dot_general3A {dimension_numbers = #tpu.dot_dimension_numbers<[1], [0], [0], [1], [0, 0, 1, 1], [], []>, precision = #tpu.contract_precision<fp32>, transpose_lhs_hint = false} : vector<96x256xf32>, vector<256x1024xf32>, vector<96x1024xf32> -> vector<96x1024xf32>
      %mul3A_22 = arith.constant 2.000000e+00 : f32
      %mul3A_23 = vector.broadcast %mul3A_22 : f32 to vector<96x1024xf32>
      %mul3A_24 = arith.mulf %mul3A_23, %dot_general3A_21 : vector<96x1024xf32>
      %sub3A = vector.broadcast %broadcast_in_dim3A : vector<1x1024xf32> to vector<96x1024xf32>
      %sub3A_25 = arith.subf %sub3A, %mul3A_24 : vector<96x1024xf32>
      %reduce_min3A = arith.constant dense<0x7F800000> : vector<96xf32>
      %reduce_min3A_26 = vector.multi_reduction <minimumf>, %sub3A_25, %reduce_min3A [1] : vector<96x1024xf32> to vector<96xf32>
      %broadcast_in_dim3A_27 = vector.shape_cast %reduce_min3A_26 : vector<96xf32> to vector<96x1xf32>
      %iota3A = tpu.iota {dimensions = array<i32: 1>} : vector<96x1024xi32>
      %eq3A_28 = vector.broadcast %broadcast_in_dim3A_27 : vector<96x1xf32> to vector<96x1024xf32>
      %eq3A_29 = arith.cmpf oeq, %sub3A_25, %eq3A_28 : vector<96x1024xf32>
      %jit3A = arith.constant 1024 : i32
      %broadcast_in_dim3A_30 = vector.broadcast %jit3A : i32 to vector<96x1024xi32>
      %select_n3A = arith.select %eq3A_29, %iota3A, %broadcast_in_dim3A_30 : vector<96x1024xi1>, vector<96x1024xi32>
      %reduce_min3A_31 = arith.constant dense<2147483647> : vector<96xi32>
      %reduce_min3A_32 = vector.multi_reduction <minsi>, %select_n3A, %reduce_min3A_31 [1] : vector<96x1024xi32> to vector<96xi32>
      %broadcast_in_dim3A_33 = vector.shape_cast %reduce_min3A_32 : vector<96xi32> to vector<96x1xi32>
      %iota3A_34 = tpu.iota {dimensions = array<i32: 1>} : vector<512x96xi32>
      %eq3A_35 = vector.broadcast %get3A_16 : vector<512x1xi32> to vector<512x96xi32>
      %eq3A_36 = arith.cmpi eq, %iota3A_34, %eq3A_35 : vector<512x96xi32>
      %convert_element_type3A_37 = arith.extui %eq3A_36 : vector<512x96xi1> to vector<512x96xi32>
      %convert_element_type3A_38 = arith.sitofp %convert_element_type3A_37 : vector<512x96xi32> to vector<512x96xf32>
      %convert_element_type3A_39 = arith.sitofp %broadcast_in_dim3A_33 : vector<96x1xi32> to vector<96x1xf32>
      %dot_general3A_40 = arith.constant dense<0.000000e+00> : vector<512x1xf32>
      %dot_general3A_41 = tpu.matmul %convert_element_type3A_38, %convert_element_type3A_39, %dot_general3A_40 {dimension_numbers = #tpu.dot_dimension_numbers<[1], [0], [0], [1], [0, 0, 1, 1], [], []>, precision = #tpu.contract_precision<fp32>, transpose_lhs_hint = false} : vector<512x96xf32>, vector<96x1xf32>, vector<512x1xf32> -> vector<512x1xf32>
      %ge3A_42 = arith.constant 0 : i32
      %ge3A_43 = vector.broadcast %ge3A_42 : i32 to vector<512x1xi32>
      %ge3A_44 = arith.cmpi sge, %get3A_16, %ge3A_43 : vector<512x1xi32>
      %lt3A = arith.constant 96 : i32
      %lt3A_45 = vector.broadcast %lt3A : i32 to vector<512x1xi32>
      %lt3A_46 = arith.cmpi slt, %get3A_16, %lt3A_45 : vector<512x1xi32>
      %and3A_47 = arith.andi %ge3A_44, %lt3A_46 : vector<512x1xi1>
      %convert_element_type3A_48 = arith.fptosi %dot_general3A_41 : vector<512x1xf32> to vector<512x1xi32>
      %get3A_49 = arith.constant 0 : index
      %get3A_50 = arith.constant 0 : index
      %get3A_51 = vector.load %arg5[%get3A_49, %get3A_50] : memref<512x1xi32, #tpu.memory_space<vmem>>, vector<512x1xi32>
      %select_n3A_52 = arith.select %and3A_47, %convert_element_type3A_48, %get3A_51 : vector<512x1xi1>, vector<512x1xi32>
      %swap3A = arith.constant 0 : index
      %swap3A_53 = arith.constant 0 : index
      %swap3A_54 = vector.load %arg4[%swap3A, %swap3A_53] : memref<512x1xi32, #tpu.memory_space<vmem>>, vector<512x1xi32>
      tpu.vector_store %arg4[%swap3A, %swap3A_53], %select_n3A_52 {strides = array<i32>} : memref<512x1xi32, #tpu.memory_space<vmem>>, vector<512x1xi32>,
    } else {
    }
    return
  }
  func.func @transform_0(%arg0: i32) -> (i32, i32) {
    %c0_i32 = arith.constant 0 : i32
    %c0_i32_0 = arith.constant 0 : i32
    %c0_i32_1 = arith.constant 0 : i32
    return %c0_i32, %c0_i32_0 : i32, i32
  }
  func.func @transform_1(%arg0: i32) -> (i32, i32) {
    %c0_i32 = arith.constant 0 : i32
    %c0_i32_0 = arith.constant 0 : i32
    %c0_i32_1 = arith.constant 0 : i32
    return %c0_i32, %c0_i32_0 : i32, i32
  }
  func.func @transform_2(%arg0: i32) -> (i32, i32) {
    %c0_i32 = arith.constant 0 : i32
    %c0_i32_0 = arith.constant 0 : i32
    %c0_i32_1 = arith.constant 0 : i32
    return %c0_i32, %c0_i32_0 : i32, i32
  }
  func.func @transform_3(%arg0: i32) -> (i32, i32) {
    %c0_i32 = arith.constant 0 : i32
    %c0_i32_0 = arith.constant 0 : i32
    %c0_i32_1 = arith.constant 0 : i32
    return %c0_i32, %c0_i32_0 : i32, i32
  }
}

module attributes {stable_mosaic.version = 14 : i64} {
  func.func @_rot_kernel(%arg0: memref<512x256xf32, #tpu.memory_space<vmem>>, %arg1: memref<512x256xf32, #tpu.memory_space<vmem>>, %arg2: memref<512x256xf32, #tpu.memory_space<vmem>>, %arg3: memref<512x256xf32, #tpu.memory_space<vmem>>, %arg4: memref<1x1xf32, #tpu.memory_space<vmem>>) attributes {dimension_semantics = [], scalar_prefetch = 0 : i64, scratch_operands = 0 : i64, tpu.core_type = #tpu.core_type<tc>} {
    %sqrt3A = arith.constant 2.560000e+02 : f32
    %sqrt3A_0 = math.sqrt %sqrt3A : f32
    %div3A = arith.constant 1.000000e+00 : f32
    %div3A_1 = arith.divf %div3A, %sqrt3A_0 : f32
    %get3A = arith.constant 0 : index
    %get3A_2 = arith.constant 0 : index
    %get3A_3 = vector.load %arg0[%get3A, %get3A_2] : memref<512x256xf32, #tpu.memory_space<vmem>>, vector<512x256xf32>
    %get3A_4 = arith.constant 0 : index
    %get3A_5 = arith.constant 0 : index
    %get3A_6 = vector.load %arg1[%get3A_4, %get3A_5] : memref<512x256xf32, #tpu.memory_space<vmem>>, vector<512x256xf32>
    %get3A_7 = arith.constant 0 : index
    %get3A_8 = arith.constant 0 : index
    %get3A_9 = vector.load %arg2[%get3A_7, %get3A_8] : memref<512x256xf32, #tpu.memory_space<vmem>>, vector<512x256xf32>
    %mul3A = arith.mulf %get3A_6, %get3A_6 : vector<512x256xf32>
    %reduce_sum3A = arith.constant dense<0.000000e+00> : vector<512xf32>
    %reduce_sum3A_10 = vector.multi_reduction <add>, %mul3A, %reduce_sum3A [1] : vector<512x256xf32> to vector<512xf32>
    %broadcast_in_dim3A = vector.shape_cast %reduce_sum3A_10 : vector<512xf32> to vector<512x1xf32>
    %sqrt3A_11 = math.sqrt %broadcast_in_dim3A : vector<512x1xf32>
    %max3A = arith.constant 9.99999997E-7 : f32
    %max3A_12 = vector.broadcast %max3A : f32 to vector<512x1xf32>
    %max3A_13 = arith.maximumf %sqrt3A_11, %max3A_12 : vector<512x1xf32>
    %div3A_14 = vector.broadcast %max3A_13 : vector<512x1xf32> to vector<512x256xf32>
    %div3A_15 = arith.divf %get3A_6, %div3A_14 : vector<512x256xf32>
    %mul3A_16 = arith.mulf %div3A_15, %div3A_15 : vector<512x256xf32>
    %reduce_sum3A_17 = arith.constant dense<0.000000e+00> : vector<512xf32>
    %reduce_sum3A_18 = vector.multi_reduction <add>, %mul3A_16, %reduce_sum3A_17 [1] : vector<512x256xf32> to vector<512xf32>
    %broadcast_in_dim3A_19 = vector.shape_cast %reduce_sum3A_18 : vector<512xf32> to vector<512x1xf32>
    %reduce_sum3A_20 = arith.constant dense<0.000000e+00> : vector<512xf32>
    %reduce_sum3A_21 = vector.multi_reduction <add>, %div3A_15, %reduce_sum3A_20 [1] : vector<512x256xf32> to vector<512xf32>
    %broadcast_in_dim3A_22 = vector.shape_cast %reduce_sum3A_21 : vector<512xf32> to vector<512x1xf32>
    %mul3A_23 = vector.broadcast %div3A_1 : f32 to vector<512x1xf32>
    %mul3A_24 = arith.mulf %broadcast_in_dim3A_22, %mul3A_23 : vector<512x1xf32>
    %add3A = arith.constant 1.000000e+00 : f32
    %add3A_25 = vector.broadcast %add3A : f32 to vector<512x1xf32>
    %add3A_26 = arith.addf %add3A_25, %mul3A_24 : vector<512x1xf32>
    %add3A_27 = arith.constant 9.99999997E-7 : f32
    %add3A_28 = vector.broadcast %add3A_27 : f32 to vector<512x1xf32>
    %add3A_29 = arith.addf %add3A_26, %add3A_28 : vector<512x1xf32>
    %reduce_sum3A_30 = arith.constant dense<0.000000e+00> : vector<512xf32>
    %reduce_sum3A_31 = vector.multi_reduction <add>, %get3A_9, %reduce_sum3A_30 [1] : vector<512x256xf32> to vector<512xf32>
    %broadcast_in_dim3A_32 = vector.shape_cast %reduce_sum3A_31 : vector<512xf32> to vector<512x1xf32>
    %mul3A_33 = vector.broadcast %div3A_1 : f32 to vector<512x1xf32>
    %mul3A_34 = arith.mulf %broadcast_in_dim3A_32, %mul3A_33 : vector<512x1xf32>
    %mul3A_35 = arith.mulf %div3A_15, %get3A_9 : vector<512x256xf32>
    %reduce_sum3A_36 = arith.constant dense<0.000000e+00> : vector<512xf32>
    %reduce_sum3A_37 = vector.multi_reduction <add>, %mul3A_35, %reduce_sum3A_36 [1] : vector<512x256xf32> to vector<512xf32>
    %broadcast_in_dim3A_38 = vector.shape_cast %reduce_sum3A_37 : vector<512xf32> to vector<512x1xf32>
    %mul3A_39 = arith.mulf %mul3A_24, %mul3A_34 : vector<512x1xf32>
    %sub3A = arith.subf %mul3A_39, %broadcast_in_dim3A_38 : vector<512x1xf32>
    %div3A_40 = arith.divf %sub3A, %add3A_29 : vector<512x1xf32>
    %add3A_41 = arith.addf %mul3A_34, %div3A_40 : vector<512x1xf32>
    %mul3A_42 = vector.broadcast %add3A_41 : vector<512x1xf32> to vector<512x256xf32>
    %mul3A_43 = arith.mulf %div3A_15, %mul3A_42 : vector<512x256xf32>
    %add3A_44 = arith.addf %get3A_9, %mul3A_43 : vector<512x256xf32>
    %neg3A = arith.constant 0.000000e+00 : f32
    %neg3A_45 = vector.broadcast %neg3A : f32 to vector<512x1xf32>
    %neg3A_46 = arith.subf %neg3A_45, %broadcast_in_dim3A_38 : vector<512x1xf32>
    %mul3A_47 = arith.mulf %broadcast_in_dim3A_19, %mul3A_34 : vector<512x1xf32>
    %mul3A_48 = arith.mulf %mul3A_24, %broadcast_in_dim3A_38 : vector<512x1xf32>
    %sub3A_49 = arith.subf %mul3A_47, %mul3A_48 : vector<512x1xf32>
    %div3A_50 = arith.divf %sub3A_49, %add3A_29 : vector<512x1xf32>
    %sub3A_51 = arith.subf %neg3A_46, %div3A_50 : vector<512x1xf32>
    %mul3A_52 = vector.broadcast %div3A_1 : f32 to vector<512x1xf32>
    %mul3A_53 = arith.mulf %mul3A_52, %sub3A_51 : vector<512x1xf32>
    %add3A_54 = vector.broadcast %mul3A_53 : vector<512x1xf32> to vector<512x256xf32>
    %add3A_55 = arith.addf %add3A_44, %add3A_54 : vector<512x256xf32>
    %swap3A = arith.constant 0 : index
    %swap3A_56 = arith.constant 0 : index
    %swap3A_57 = vector.load %arg3[%swap3A, %swap3A_56] : memref<512x256xf32, #tpu.memory_space<vmem>>, vector<512x256xf32>
    tpu.vector_store %arg3[%swap3A, %swap3A_56], %add3A_55 {strides = array<i32>} : memref<512x256xf32, #tpu.memory_space<vmem>>, vector<512x256xf32>,
    %sub3A_58 = arith.subf %get3A_3, %add3A_55 : vector<512x256xf32>
    %mul3A_59 = arith.mulf %sub3A_58, %sub3A_58 : vector<512x256xf32>
    %reduce_sum3A_60 = vector.shape_cast %mul3A_59 : vector<512x256xf32> to vector<1x512x256xf32>
    %reduce_sum3A_61 = arith.constant dense<0.000000e+00> : vector<1xf32>
    %reduce_sum3A_62 = vector.multi_reduction <add>, %reduce_sum3A_60, %reduce_sum3A_61 [1, 2] : vector<1x512x256xf32> to vector<1xf32>
    %reduce_sum3A_63 = vector.shape_cast %reduce_sum3A_62 : vector<1xf32> to vector<1x1x1xf32>
    %reduce_sum3A_64 = vector.extract %reduce_sum3A_63[0, 0, 0] : f32 from vector<1x1x1xf32>
    %div3A_65 = arith.constant 5.120000e+02 : f32
    %div3A_66 = arith.divf %reduce_sum3A_64, %div3A_65 : f32
    %mul3A_67 = arith.constant 2.500000e-01 : f32
    %mul3A_68 = arith.mulf %mul3A_67, %div3A_66 : f32
    %add3A_69 = arith.addf %div3A_66, %mul3A_68 : f32
    %reshape3A = vector.broadcast %add3A_69 : f32 to vector<1x1xf32>
    %swap3A_70 = arith.constant 0 : index
    %swap3A_71 = arith.constant 0 : index
    %swap3A_72 = vector.load %arg4[%swap3A_70, %swap3A_71] : memref<1x1xf32, #tpu.memory_space<vmem>>, vector<1x1xf32>
    tpu.vector_store %arg4[%swap3A_70, %swap3A_71], %reshape3A {strides = array<i32>} : memref<1x1xf32, #tpu.memory_space<vmem>>, vector<1x1xf32>,
    return
  }
}

</mosaic_0001>

<sc_bundles>
// kernel: kernel.5.cloned.1.call-start
scs
__scs_entry_jumppad:
0x0: {  	(pc) =	sbr.rel $0x88, $3  }
0x1: {  	(tag) =	ssettag $0x0;
	lr =	simm.s32 $0x1  }
0x2: {  	[smem:$0x3F9E] =	sst lr;
	_ =	strace $0xD0000000  }
0x3: {  	_ = 	snop  }
0x4: {  	_ = 	snop  }
0x5: {  	_ = 	snop  }
0x6: {  	_ = 	snop  }
0x7: {  	_ = 	snop  }
__scs_overlays_trampoline_lowered:
0x8: {  	[smem:$0x3FAD] =	sst s0  }
0x9: {  	[smem:$0x3FAE] =	sst s1  }
0xa: {  	[smem:$0x3FAF] =	sst s2  }
0xb: {  	[smem:$0x3FB0] =	sst s3  }
0xc: {  	[smem:$0x3FB1] =	sst s4  }
0xd: {  	[smem:$0x3FB2] =	sst s5  }
0xe: {  	[smem:$0x3FB3] =	sst s6  }
0xf: {  	[smem:$0x3FB4] =	sst s7  }
0x10: {  	[smem:$0x3FB5] =	sst s8  }
0x11: {  	[smem:$0x3FB6] =	sst s9;
	s0 =	simm.s32 @!p0 $0x0  }
0x12: {  	s1 =	sld [smem:$0x3F9C];
	s0 =	simm.s32 @p0 $0x1  }
0x13: {  	[smem:$0x3FB7] =	sst s0;
	s0 =	simm.s32 @!p1 $0x0  }
0x14: {  	s2 =	sld [smem:$0x3F9B];
	s0 =	simm.s32 @p1 $0x1  }
0x15: {  	[smem:$0x3FB8] =	sst s0;
	s0 =	simm.s32 @!p2 $0x0  }
0x16: {  	s3 =	sld [smem:$0x3FDB];
	s0 =	simm.s32 @p2 $0x1  }
0x17: {  	s4 =	simm.s32 $0x1BF5;
	[smem:$0x3FBA] =	sst s0  }
0x18: {  	s0 =	sld [smem:$0x3F9D];
	_ =	swait.ge [sflag:s4], $0x0  }
0x19: {  	s7 =	sld [smem:$0x3F9E]  }
0x1a: {  	s8 =	sadd.s32 $0xFFFFE003, lr  }
0x1b: {  	s9 =	sadd.s32 $0xFFFFFEF7, lr;
	s5 =	simm.s32 $0xFFFFFFFF;
	p2 =	slt.u32 s8, $0xFFFFF086  }
0x1c: {  	p1 =	slt.u32 s9, $0xF7A;
	s5 =	simm.s32 @!p2 $0x0  }
0x1d: {  	s5 =	simm.s32 @p1 $0x1;
	p0 =	seq.s32 s7, s2  }
0x1e: {  	s7 =	smul.u32 @!p0 $0xF7A, s2;
	p2 =	seq.s32 @!p0 s5, $0x0  }
0x1f: {  	s9 =	smul.u32 $0xF7A, s1;
	s8 =	simm.s32 @!p0 $0x1BF5;
	p2 =	por !p2, p0  }
0x20: {  	[sflag:s8] =	ssyncset.s32 @!p0 $0xFFFFF086;
	s6 =	sadd.s32 @!p0 s3, s7;
	s7 =	simm.s32 @!p0 $0x108  }
0x21: {  	s3 =	sadd.s32 s3, s9;
	s6 =	sadd.s32 @!p0 $0x88, s6;
	s7 =	simm.s32 @p2 $0x1082  }
0x22: {  	[simem:s7], [sflag:s8] =	dma.local @!p0 [hbm:s6], $0xF7A  }
0x23: {  	s9 =	sor.u32 $0xD0000000, s2;
	s6 =	simm.s32 $0x108;
	_ =	swait.ge @!p0 [sflag:s8], $0x0  }
0x24: {  	s3 =	sadd.s32 $0x88, s3;
	s6 =	simm.s32 @!p1 $0x1082;
	[sflag:s4] =	ssyncset.s32 $0xFFFFF086  }
0x25: {  	[simem:s6], [sflag:s4] =	dma.local [hbm:s3], $0xF7A  }
0x26: {  	[smem:$0x3F9E] =	sst s1;
	(tag) =	ssettag s2;
	_ =	strace s9  }
0x27: {  	s1 =	sld [smem:$0x3FAE]  }
0x28: {  	s2 =	sld [smem:$0x3FAF]  }
0x29: {  	s4 =	sld [smem:$0x3FB1]  }
0x2a: {  	p0 =	seq.s32 s5, $0x0;
	s5 =	sld [smem:$0x3FB2]  }
0x2b: {  	s6 =	sld [smem:$0x3FB3]  }
0x2c: {  	s7 =	sld [smem:$0x3FB4]  }
0x2d: {  	s3 =	simm.s32 $0x108;
	s8 =	sld [smem:$0x3FB5]  }
0x2e: {  	s3 =	simm.s32 @!p0 $0x1082;
	s9 =	sld [smem:$0x3FB6]  }
0x2f: {  	lr =	sadd.s32 s0, s3;
	s0 =	sld [smem:$0x3FAD]  }
0x30: {  	s3 =	sld [smem:$0x3FB0]  }
0x31: {  	[smem:$0x3FB9] =	sst s10  }
0x32: {  	s10 =	sld [smem:$0x3FB7];
	_ =	sdelay $0x3  }
0x33: {  	p0 =	seq.s32 s10, $0x1;
	s10 =	sld [smem:$0x3FB9];
	_ =	sdelay $0x3  }
0x34: {  	[smem:$0x3FB9] =	sst s10  }
0x35: {  	s10 =	sld [smem:$0x3FB8];
	_ =	sdelay $0x3  }
0x36: {  	p1 =	seq.s32 s10, $0x1;
	s10 =	sld [smem:$0x3FB9];
	_ =	sdelay $0x3  }
0x37: {  	[smem:$0x3FB9] =	sst s10  }
0x38: {  	s10 =	sld [smem:$0x3FBA]  }
0x39: {  	_ = 	snop;
	(pc) =	sbr.ind lr, $3  }
0x3a: {  	_ = 	snop  }
0x3b: {  	_ = 	snop  }
0x3c: {  	p2 =	seq.s32 s10, $0x1;
	s10 =	sld [smem:$0x3FB9]  }
0x3d: {  	_ =	shalt  }
0x3e: {  	_ =	shalt  }
0x3f: {  	_ =	shalt  }
0x40: {  	_ =	shalt  }
0x41: {  	_ =	shalt  }
0x42: {  	_ =	shalt  }
0x43: {  	_ =	shalt  }
0x44: {  	_ =	shalt  }
0x45: {  	_ =	shalt  }
0x46: {  	_ =	shalt  }
0x47: {  	_ =	shalt  }
0x48: {  	_ =	shalt  }
0x49: {  	_ =	shalt  }
0x4a: {  	_ =	shalt  }
0x4b: {  	_ =	shalt  }
0x4c: {  	_ =	shalt  }
0x4d: {  	_ =	shalt  }
0x4e: {  	_ =	shalt  }
0x4f: {  	_ =	shalt  }
0x50: {  	_ =	shalt  }
0x51: {  	_ =	shalt  }
0x52: {  	_ =	shalt  }
0x53: {  	_ =	shalt  }
0x54: {  	_ =	shalt  }
0x55: {  	_ =	shalt  }
0x56: {  	_ =	shalt  }
0x57: {  	_ =	shalt  }
0x58: {  	_ =	shalt  }
0x59: {  	_ =	shalt  }
0x5a: {  	_ =	shalt  }
0x5b: {  	_ =	shalt  }
0x5c: {  	_ =	shalt  }
0x5d: {  	_ =	shalt  }
0x5e: {  	_ =	shalt  }
0x5f: {  	_ =	shalt  }
0x60: {  	_ =	shalt  }
0x61: {  	_ =	shalt  }
0x62: {  	_ =	shalt  }
0x63: {  	_ =	shalt  }
0x64: {  	_ =	shalt  }
0x65: {  	_ =	shalt  }
0x66: {  	_ =	shalt  }
0x67: {  	_ =	shalt  }
0x68: {  	_ =	shalt  }
0x69: {  	_ =	shalt  }
0x6a: {  	_ =	shalt  }
0x6b: {  	_ =	shalt  }
0x6c: {  	_ =	shalt  }
0x6d: {  	_ =	shalt  }
0x6e: {  	_ =	shalt  }
0x6f: {  	_ =	shalt  }
0x70: {  	_ =	shalt  }
0x71: {  	_ =	shalt  }
0x72: {  	_ =	shalt  }
0x73: {  	_ =	shalt  }
0x74: {  	_ =	shalt  }
0x75: {  	_ =	shalt  }
0x76: {  	_ =	shalt  }
0x77: {  	_ =	shalt  }
0x78: {  	_ =	shalt  }
0x79: {  	_ =	shalt  }
0x7a: {  	_ =	shalt  }
0x7b: {  	_ =	shalt  }
0x7c: {  	_ =	shalt  }
0x7d: {  	_ =	shalt  }
0x7e: {  	_ =	shalt  }
0x7f: {  	_ =	shalt  }
0x80: {  	_ =	shalt  }
0x81: {  	_ =	shalt  }
0x82: {  	_ =	shalt  }
0x83: {  	_ =	shalt  }
0x84: {  	_ =	shalt  }
0x85: {  	_ =	shalt  }
0x86: {  	_ =	shalt  }
0x87: {  	_ =	shalt  }
.Lfunc_end0:
.L_simem_size_0:
called_computation_lowered:
.L_overlay_start_0:
0x88: {  	s2 =	sld [smem:$0x3FD9]  }
0x89: {  	s3 =	sld [smem:$0x3FFE];
	_ =	sdelay $0x1  }
0x8a: {  	s1 =	srdreg.scid  }
0x8b: {  	s0 =	sand.u32 $0x1, s1  }
0x8c: {  	s15 =	sshll.u32 s0, $0xA;
	s2 =	sadd.s32 s3, s2  }
0x8d: {  	s2 =	sadd.s32 s2, s15  }
0x8e: {  	[smem:$0x3FC5] =	sst s2  }
0x8f: {  	_ = 	snop  }
0x90: {  	s2 =	sld [smem:$0x3FD0];
	_ =	sdelay $0x2  }
0x91: {  	s4 =	simm.s32 $0xA;
	s5 =	simm.s32 $0x10;
	s16 =	sld [smem:$0x3FC7]  }
0x92: {  	[smem:s5], [sflag:s4] =	dma.local [hbm:s2], $0x1  }
0x93: {  	_ =	swait.eq [sflag:s4], $0x1  }
0x94: {  	[sflag:s4] =	ssyncset.done $0x0  }
0x95: {  	s17 =	sld [smem:$0x10];
	[sflag:s4] =	ssyncadd.s32 $0xFFFFFFFF  }
0x96: {  	s18 =	sld [smem:$0x11];
	(tm) =	ssettm $0x1  }
0x97: {  	s19 =	sld [smem:$0x3FFB];
	_ =	sdelay $0x3  }
0x98: {  	_ =	strace s19  }
0x99: {  	s5 =	sld [smem:$0x3FFC];
	_ =	sdelay $0x3  }
0x9a: {  	_ =	strace s5  }
0x9b: {  	s5 =	sld [smem:$0x3FFD];
	_ =	sdelay $0x3  }
0x9c: {  	_ =	strace s5  }
0x9d: {  	_ =	strace $0x8FFFFFFF  }
0x9e: {  	s20 =	sld [smem:$0x3FDB];
	_ =	sdelay $0x1  }
0x9f: {  	s6 =	simm.s32 $_scs_section_size  }
0xa0: {  	s7 =	simm.s32 $_size__tile_overlayer_lowered;
	s8 =	simm.s32 $_tile_overlayer_lowered  }
0xa1: {  	s23 =	simm.s32 $0x1BFF;
	s22 =	sshll.u32 s8, $0x1;
	s5 =	sadd.s32 s6, s20  }
0xa2: {  	s9 =	simm.s32 $0x0;
	s21 =	sshll.u32 s7, $0x1;
	s7 =	sadd.s32 s22, s5  }
0xa3: {  	[timem:s9], [sflag:s23] =	dma.local [hbm:s7], s21  }
0xa4: {  	_ =	swait.ge [sflag:s23], s21  }
0xa5: {  	s6 =	ssub.s32 $0x0, s21;
	[sflag:s23] =	ssyncset.done $0x0  }
0xa6: {  	[sflag:s23] =	ssyncadd.s32 s6;
	_ =	sdelay $0x1  }
0xa7: {  	s24 =	simm.s32 $0x1B8B  }
0xa8: {  	_ =	swait.ge [sflag:s24], $0x1  }
0xa9: {  	[sflag:s24] =	ssyncset.done $0x0  }
0xaa: {  	s25 =	simm.s32 $0x1B8E;
	[sflag:s24] =	ssyncadd.s32 $0xFFFFFFFF  }
0xab: {  	s26 =	simm.s32 $execute0_lowered;
	[smem:$0x3FD2] =	sst s25  }
0xac: {  	s6 =	sshll.u32 s26, $0x1;
	_ =	strace $0x80000046;
	[dreg:$0x1] =	wrdreg $0xFFFFFFFF  }
0xad: {  	s28 =	simm.s32 $_size_execute0_lowered;
	s5 =	sadd.s32 s5, s6;
	[dreg:$0x0] =	wrdreg $0x0  }
0xae: {  	s6 =	sshll.u32 s28, $0x1;
	[dreg:$0x2] =	wrdreg s5  }
0xaf: {  	[dreg:$0x3] =	wrdreg s6  }
0xb0: {  	[dreg:$0x4] =	wrdreg $0xC0  }
0xb1: {  	_ =	task [dreg:s9], $0x5FFFF  }
0xb2: {  	[dreg:$0x1] =	wrdreg $0xFFFFFFFF  }
0xb3: {  	[dreg:$0x0] =	wrdreg $0x60  }
0xb4: {  	[dreg:$0x2] =	wrdreg s16  }
0xb5: {  	[dreg:$0x3] =	wrdreg s18  }
0xb6: {  	[dreg:$0x4] =	wrdreg s17  }
0xb7: {  	[dreg:$0x5] =	wrdreg $0x9  }
0xb8: {  	_ =	task.clear_ibuf [dreg:s9], $0x6FFFF;
	_ =	strace $0x90000046  }
0xb9: {  	s29 =	simm.s32 $0x9;
	_ =	strace $0x80000048  }
0xba: {  	_ =	swait.ge [sflag:s29], $0x1  }
0xbb: {  	[sflag:s29] =	ssyncadd.s32 $0xFFFFFFFF  }
0xbc: {  	_ =	strace $0x90000048  }
0xbd: {  	_ =	sfence  }
0xbe: {  	s30 =	sld [smem:$0x0];
	_ =	sdelay $0x2  }
0xbf: {  	s31 =	sshll.u32 s1, $0xD;
	s1 =	sshrl.u32 s1, $0x2  }
0xc0: {  	s3 =	sand.u32 $0x4000, s31;
	s1 =	sadd.s32 s1, s30  }
0xc1: {  	s0 =	sor.u32 s3, s0;
	s1 =	sshll.u32 s1, $0x11  }
0xc2: {  	s0 =	sor.u32 s1, s0  }
0xc3: {  	s0 =	sadd.s32 $0x8F2B, s0  }
0xc4: {  	[sflag:s0] =	ssyncadd.remote.s32 $0x1  }
0xc5: {  	_ =	sfence.sel $0xFFFF  }
0xc6: {  	[dreg:$0x0] =	wrdreg $0xFFFFFFFF;
	(pc) =	sbr.abs _section_cstart, $3  }
0xc7: {  	[dreg:$0x1] =	wrdreg $0xFFFFFFFF  }
0xc8: {  	_ =	task.clear_ibuf [dreg:s9], $0x2FFFF;
	_ =	strace $0x9FFFFFFF  }
0xc9: {  	(tm) =	ssettm $0x7FFFFFFF  }
tec
execute0_lowered:
.L_overlay_start_1:
0x0: {  	(tag) =	ssettag $0x1  }
0x1: {  	s1 =	rddreg [dreg:$0x0];
	s2 =	srdreg.scid  }
0x2: {  	s4 =	rddreg [dreg:$0x1];
	s0 =	stileid.u32;
	s7 =	sand.u32 $0x1, s2  }
0x3: {  	s9 =	rddreg [dreg:$0x2];
	s5 =	sshll.u32 s0, $0x5;
	s6 =	sshll.u32 s7, $0x4  }
0x4: {  	s3 =	simm.s32 $0x0;
	s2 =	rddreg [dreg:$0x3];
	s10 =	sor.u32 s6, s5  }
0x5: {  	[smem:$0x7FF] =	sst s3;
	s5 =	sshrl.u32 s10, $0x3  }
0x6: {  	_ =	strace $0x80000047;
	s5 =	sadd.s32 s4, s5;
	s4 =	simm.s32 $0x2  }
0x7: {  	[tilespmem:s3], [sflag:$0x2] =	stream.linear.gather [hbm4b:s5+s3], $0x10, $0x38;
	[tilespmem:$0x1080] =	vst v63  }
0x8: {  	_ =	swait.ge [sflag:s4], $0x10  }
0x9: {  	[sflag:s4] =	ssyncset.done $0x0  }
0xa: {  	[sflag:s4] =	ssyncadd.s32 $0xFFFFFFF0  }
0xb: {  	v0 =	vld [tilespmem:$0x0];
	_ =	sdelay $0x4  }
0xc: {  	v1 =	vshll.u32 v0, $0x1  }
0xd: {  	v2 =	vlaneseq.u32;
	v3 =	vand.u32 $0x7, v0;
	v1 =	vand.u32 $0xFFFFFFF0, v1  }
0xe: {  	v4 =	vshrl.u32 v2, $0x3;
	v0 =	vand.u32 $0x7, v2;
	v3 =	vor.u32 v3, v1  }
0xf: {  	v1 =	vmul.u32 $0x8, v4;
	v63 =	vperm.xlane v3, v0  }
0x10: {  	v2 =	vor.u32 $0x8, v2  }
0x11: {  	v3 =	vperm.xlane v3, v2;
	v4 =	vadd.s32 v1, v63;
	_ =	sdelay $0x1  }
0x12: {  	s11 =	ssub.s32 $0x2, s7;
	v3 =	vadd.s32 v1, v3  }
0x13: {  	s12 =	sshrl.u32 s11, $0x1  }
0x14: {  	vm0 =	vmmov $0xffff;
	s6 =	simm.s32 $0x80;
	s11 =	ssub.s32 s11, s12  }
0x15: {  	[tilespmem:s6], [sflag:$0x1] =	stream.indirect_vreg.gather [hbm4b:s1+s3], $0x80, v4, vm0, $0xb8;
	[tilespmem:$0x1080] =	vst v63  }
0x16: {  	s8 =	simm.s32 $0x1;
	s7 =	simm.s32 $0x880;
	s31 =	smax.u32 s11, $0x1  }
0x17: {  	[tilespmem:s7], [sflag:$0x1] =	stream.indirect_vreg.gather [hbm4b:s1+s3], $0x80, v3, vm0, $0xb8;
	[tilespmem:$0x1080] =	vst v63  }
0x18: {  	p0 =	sne.s32 s31, $0x1;
	_ =	swait.ge [sflag:s8], $0x1000  }
.Ltmp0:
0x19: {  	s10 =	sshll.u32 s10, $0x5;
	[sflag:s8] =	ssyncset.done $0x0;
	(pc) =	sbr.rel @!p0 .LBB2_2-.Ltmp0, $4  }
0x1a: {  	s9 =	sadd.s32 s9, s10;
	[sflag:s8] =	ssyncadd.s32 $0xFFFFF000  }
0x1b: {  	[hbm4b:s9+s3] =	stream.linear.scatter [tilespmem:s6], [sflag:$0x2], $0x1000, $0x38;
	[tilespmem:$0x1080] =	vst v63  }
0x1c: {  	_ =	swait.ge [sflag:s4], $0x1000  }
0x1d: {  	s10 =	sadd.s32 $0xFFFFFFFF, s31;
	[sflag:s4] =	ssyncset.done $0x0  }
.LBB2_1:
0x1e: {  	p0 =	sne.s32 s10, $0x1;
	s10 =	sadd.s32 $0xFFFFFFFF, s10;
	[sflag:s4] =	ssyncadd.s32 $0xFFFFF000  }
0x1f: {  	[tilespmem:s3], [sflag:$0x2] =	stream.linear.gather [hbm4b:s5+s3], $0x10, $0x38;
	[tilespmem:$0x1080] =	vst v63  }
0x20: {  	_ =	swait.ge [sflag:s4], $0x10  }
0x21: {  	[sflag:s4] =	ssyncset.done $0x0  }
0x22: {  	[sflag:s4] =	ssyncadd.s32 $0xFFFFFFF0  }
0x23: {  	v3 =	vld [tilespmem:$0x0];
	_ =	sdelay $0x4  }
0x24: {  	v4 =	vshll.u32 v3, $0x1  }
0x25: {  	v3 =	vand.u32 $0x7, v3;
	v4 =	vand.u32 $0xFFFFFFF0, v4  }
0x26: {  	v3 =	vor.u32 v3, v4  }
0x27: {  	v4 =	vperm.xlane v3, v0;
	v3 =	vperm.xlane v3, v2;
	_ =	sdelay $0x1  }
0x28: {  	v4 =	vadd.s32 v1, v4;
	_ =	sdelay $0x1  }
0x29: {  	v3 =	vadd.s32 v1, v3;
	_ =	sdelay $0x2  }
0x2a: {  	[tilespmem:s6], [sflag:$0x1] =	stream.indirect_vreg.gather [hbm4b:s1+s3], $0x80, v4, vm0, $0xb8;
	[tilespmem:$0x1080] =	vst v63  }
0x2b: {  	_ = 	snop  }
0x2c: {  	[tilespmem:s7], [sflag:$0x1] =	stream.indirect_vreg.gather [hbm4b:s1+s3], $0x80, v3, vm0, $0xb8;
	[tilespmem:$0x1080] =	vst v63  }
0x2d: {  	_ =	swait.ge [sflag:s8], $0x1000  }
.Ltmp1:
0x2e: {  	[sflag:s8] =	ssyncset.done $0x0;
	(pc) =	sbr.rel @p0 .LBB2_1-.Ltmp1, $4  }
0x2f: {  	[sflag:s8] =	ssyncadd.s32 $0xFFFFF000  }
0x30: {  	[hbm4b:s9+s3] =	stream.linear.scatter [tilespmem:s6], [sflag:$0x2], $0x1000, $0x38;
	[tilespmem:$0x1080] =	vst v63  }
0x31: {  	_ =	swait.ge [sflag:s4], $0x1000  }
0x32: {  	[sflag:s4] =	ssyncset.done $0x0  }
.LBB2_2:
0x33: {  	[sflag:s4] =	ssyncadd.s32 $0xFFFFF000  }
0x34: {  	_ =	sfence.sel $0x180000  }
0x35: {  	[bflag:$0x0] =	sbarrier.arrive $0xFFFF  }
0x36: {  	p0 =	sne.s32 s0, $0x0;
	_ =	strace $0x90000047  }
0x37: {  	s0 =	sadd.s32 @!p0 $0x100000, s2;
	[bflag:$0x2] =	sbarrier.arrive $0xFFFF  }
0x38: {  	[sflag:s0] =	ssyncadd.tile.s32 @!p0 $0x1;
	_ =	shalt  }
.Lfunc_end2:
_tile_overlayer_lowered:
.L_overlay_start_2:
0x39: {  	(tag) =	ssettag $0x2  }
0x3a: {  	s0 =	rddreg [dreg:$0x0];
	s2 =	stileid.u32  }
0x3b: {  	s1 =	rddreg [dreg:$0x1];
	p0 =	sne.s32 s2, $0x0  }
0x3c: {  	s3 =	rddreg [dreg:$0x2];
	[bflag:$0x3] =	sbarrier.arrive $0xFFFF;
	s2 =	simm.s32 @!p0 $0x1C02  }
0x3d: {  	[timem:s3], [sflag:s2] =	dma.local @!p0 [hbm:s0], s1  }
0x3e: {  	s0 =	simm.s32 @!p0 $0x2  }
0x3f: {  	_ =	swait.ge @!p0 [sflag:s0], s1  }
0x40: {  	s1 =	ssub.s32 @!p0 $0x0, s1;
	[sflag:s0] =	ssyncset.done @!p0 $0x0  }
0x41: {  	[sflag:s0] =	ssyncadd.s32 @!p0 s1  }
0x42: {  	[bflag:$0x3] =	sbarrier.arrive $0xFFFF  }
0x43: {  	_ =	shalt  }

</sc_bundles>
